<compile_context>
chip_gen: v7x
topology: tpu7x:2x2x1
jax: 0.10.2.dev20260603
libtpu: 0.0.44.dev20260713+nightly
codegen_flags: <defaults>
</compile_context>

<pallas_src>
import functools

import jax
import jax.numpy as jnp
from jax import lax
from jax.experimental import pallas as pl
from jax.experimental.pallas import tpu as pltpu
from jax.experimental.pallas import tpu_sc as plsc

NC = 2
NS = 16
LANES = 16
NW = NC * NS

ROWS, COLS = 4096, 16384
TOTAL = ROWS * COLS
PER_W = TOTAL // NW
CHUNK = 32768
N_CHUNKS = PER_W // CHUNK


def _mask_body(buf, i):
    x = buf[pl.ds(i, 16)]
    a = jnp.abs(x)
    lane = lax.iota(jnp.int32, 16)
    rank = jnp.zeros(16, jnp.int32)
    for s in range(1, 8):
        perm = (lane & 8) | ((lane + s) & 7)
        aj = jnp.take_along_axis(a, perm, axis=0)
        tiem = ((lane & 7) + s) >= 8
        beat = (aj > a) | ((aj == a) & tiem)
        rank = rank + jnp.where(beat, 1, 0)
    keep = rank < 4
    buf[pl.ds(i, 16)] = jnp.where(keep, x, 0.0)


def _make_pruner():
    mesh = plsc.VectorSubcoreMesh(core_axis_name="c", subcore_axis_name="s")

    @functools.partial(
        pl.kernel,
        mesh=mesh,
        out_type=jax.ShapeDtypeStruct((TOTAL,), jnp.float32),
        scratch_types=[pltpu.VMEM((CHUNK,), jnp.float32)],
    )
    def pruner(w_hbm, out_hbm, buf):
        wid = lax.axis_index("s") * NC + lax.axis_index("c")
        base_w = wid * PER_W

        def chunk_body(c, carry):
            base = base_w + c * CHUNK
            pltpu.sync_copy(w_hbm.at[pl.ds(base, CHUNK)], buf)

            @plsc.parallel_loop(0, CHUNK, 16, unroll=8)
            def _(i):
                _mask_body(buf, i)

            pltpu.sync_copy(buf, out_hbm.at[pl.ds(base, CHUNK)])
            return carry

        lax.fori_loop(0, N_CHUNKS, chunk_body, 0)

    return pruner


_pruner = _make_pruner()


def kernel(weight):
    flat = weight.reshape(TOTAL)
    out = _pruner(flat)
    return out.reshape(ROWS, COLS)

# --- scband reference (transcript-rebuilt; emitter-appended) ---
"""Pipeline reference for scband-lsqweight-pruner-81819126989118 (READ-ONLY COPY).

The authoritative reference and input builder live on the scoring server;
editing this copy changes nothing except your own understanding.
"""

import jax, jax.numpy as jnp
import numpy as np


def setup_inputs(seed: int = 0) -> dict:
    key = jax.random.key(seed)
    weight = jax.random.normal(key, (4096, 16384), dtype=jnp.float32)
    return {"weight": weight}


def reference(weight):
    N, M = 4, 8
    if weight.size % M != 0:
        raise ValueError('weight//M !!')
    r = weight.reshape(-1, M)
    # top-N by absolute value within each group of M
    _, idx = jax.lax.top_k(jnp.abs(r), N)
    rows = jnp.arange(r.shape[0])[:, None]
    mask = jnp.zeros_like(r).at[rows, idx].set(1.0)
    sparse = r * mask
    return sparse.reshape(weight.shape)

if __name__ == "__main__":
    import jax
    _d = setup_inputs()
    print(jax.jit(kernel)(*tuple(_d.values())))

</pallas_src>

<mosaic_0001>
#map = affine_map<(d0, d1) -> (0)>
module attributes {stable_mosaic.version = 14 : i64} {
  func.func @pruner(%arg0: i32, %arg1: i32, %arg2: memref<67108864xf32, #tpu.memory_space<hbm>>, %arg3: memref<67108864xf32, #tpu.memory_space<hbm>>, %arg4: memref<32768xf32, #tpu.memory_space<vmem>>) attributes {dimension_semantics = [#tpu.dimension_semantics<core_parallel>, #tpu.dimension_semantics<subcore_parallel>], iteration_bounds = array<i64: 2, 16>, scalar_prefetch = 0 : i64, scratch_operands = 1 : i64, tpu.core_type = #tpu.core_type<sc_vector_subcore>, window_params = [{transform_indices = #map}, {transform_indices = #map}]} {
    %mul3A = arith.constant 2 : i32
    %mul3A_0 = arith.muli %arg1, %mul3A : i32
    %add3A = arith.addi %mul3A_0, %arg0 : i32
    %mul3A_1 = arith.constant 2097152 : i32
    %mul3A_2 = arith.muli %add3A, %mul3A_1 : i32
    %scan3A = arith.constant 0 : i32
    %scan3A_3 = arith.constant 0 : i32
    %scan3A_4 = arith.constant 64 : i32
    %scan3A_5 = arith.addi %scan3A_3, %scan3A_4 : i32
    %scan3A_6 = arith.constant 1 : i32
    scf.for %scan3A_8 = %scan3A_3 to %scan3A_5 step %scan3A_6  : i32 {
      %mul3A_9 = arith.constant 32768 : i32
      %mul3A_10 = arith.muli %scan3A_8, %mul3A_9 : i32
      %add3A_11 = arith.addi %mul3A_2, %mul3A_10 : i32
      "tpu.region"() ({
        %run_scoped3A = tpu.sem_alloc : memref<!tpu.dma_semaphore, #tpu.memory_space<semaphore_mem>>
        %dma_start3A = tpu.memref_slice %arg2[%add3A_11] : memref<67108864xf32, #tpu.memory_space<hbm>> -> memref<32768xf32, #tpu.memory_space<hbm>>
        %dma_start3A_14 = tpu.memref_slice %arg2[%add3A_11] : memref<67108864xf32, #tpu.memory_space<hbm>> -> memref<32768xf32, #tpu.memory_space<hbm>>
        tpu.enqueue_dma source(%dma_start3A_14 : memref<32768xf32, #tpu.memory_space<hbm>>) target(%arg4 : memref<32768xf32, #tpu.memory_space<vmem>>) target_semaphore(%run_scoped3A : memref<!tpu.dma_semaphore, #tpu.memory_space<semaphore_mem>>)
        %dma_wait3A = tpu.memref_slice %arg2[%add3A_11] : memref<67108864xf32, #tpu.memory_space<hbm>> -> memref<32768xf32, #tpu.memory_space<hbm>>
        %dma_wait3A_15 = tpu.memref_slice %arg2[%add3A_11] : memref<67108864xf32, #tpu.memory_space<hbm>> -> memref<32768xf32, #tpu.memory_space<hbm>>
        tpu.wait_dma2 semaphore(%run_scoped3A : memref<!tpu.dma_semaphore, #tpu.memory_space<semaphore_mem>>) src(%dma_wait3A_15 : memref<32768xf32, #tpu.memory_space<hbm>>) dst(%arg4 : memref<32768xf32, #tpu.memory_space<vmem>>)
        tpu.yield
      }) : () -> ()
      %parallel_loop3A = arith.constant 0 : i32
      %parallel_loop3A_12 = arith.constant 32768 : i32
      %parallel_loop3A_13 = arith.constant 16 : i32
      scf.for %parallel_loop3A_14 = %parallel_loop3A to %parallel_loop3A_12 step %parallel_loop3A_13  : i32 {
        %parallel_loop3A_15 = arith.index_cast %parallel_loop3A_14 : i32 to index
        %parallel_loop3A_16 = tpu.vector_load %arg4[%parallel_loop3A_15] {strides = array<i32>} : memref<32768xf32, #tpu.memory_space<vmem>>, vector<16xf32>,
        %parallel_loop3A_17 = vector.shape_cast %parallel_loop3A_16 : vector<16xf32> to vector<16xf32>
        %parallel_loop3A_18 = math.absf %parallel_loop3A_17 : vector<16xf32>
        %parallel_loop3A_19 = tpu.iota {dimensions = array<i32: 0>} : vector<16xi32>
        %parallel_loop3A_20 = arith.constant 0 : i32
        %parallel_loop3A_21 = vector.broadcast %parallel_loop3A_20 : i32 to vector<16xi32>
        %parallel_loop3A_22 = arith.constant 8 : i32
        %parallel_loop3A_23 = vector.broadcast %parallel_loop3A_22 : i32 to vector<16xi32>
        %parallel_loop3A_24 = arith.andi %parallel_loop3A_19, %parallel_loop3A_23 : vector<16xi32>
        %parallel_loop3A_25 = arith.constant 1 : i32
        %parallel_loop3A_26 = vector.broadcast %parallel_loop3A_25 : i32 to vector<16xi32>
        %parallel_loop3A_27 = arith.addi %parallel_loop3A_19, %parallel_loop3A_26 : vector<16xi32>
        %parallel_loop3A_28 = arith.constant 7 : i32
        %parallel_loop3A_29 = vector.broadcast %parallel_loop3A_28 : i32 to vector<16xi32>
        %parallel_loop3A_30 = arith.andi %parallel_loop3A_27, %parallel_loop3A_29 : vector<16xi32>
        %parallel_loop3A_31 = arith.ori %parallel_loop3A_24, %parallel_loop3A_30 : vector<16xi32>
        %parallel_loop3A_32 = arith.constant 0 : i32
        %parallel_loop3A_33 = vector.broadcast %parallel_loop3A_32 : i32 to vector<16xi32>
        %parallel_loop3A_34 = arith.cmpi slt, %parallel_loop3A_31, %parallel_loop3A_33 : vector<16xi32>
        %parallel_loop3A_35 = arith.constant 16 : i32
        %parallel_loop3A_36 = vector.broadcast %parallel_loop3A_35 : i32 to vector<16xi32>
        %parallel_loop3A_37 = arith.addi %parallel_loop3A_31, %parallel_loop3A_36 : vector<16xi32>
        %parallel_loop3A_38 = arith.select %parallel_loop3A_34, %parallel_loop3A_37, %parallel_loop3A_31 : vector<16xi1>, vector<16xi32>
        %parallel_loop3A_39 = vector.shape_cast %parallel_loop3A_38 : vector<16xi32> to vector<16x1xi32>
        %parallel_loop3A_40 = vector.shape_cast %parallel_loop3A_39 : vector<16x1xi32> to vector<16xi32>
        %parallel_loop3A_41 = tpu.dynamic_gather %parallel_loop3A_18[%parallel_loop3A_40] in [0] : vector<16xf32>, vector<16xi32> -> vector<16xf32>
        %parallel_loop3A_42 = arith.constant 7 : i32
        %parallel_loop3A_43 = vector.broadcast %parallel_loop3A_42 : i32 to vector<16xi32>
        %parallel_loop3A_44 = arith.andi %parallel_loop3A_19, %parallel_loop3A_43 : vector<16xi32>
        %parallel_loop3A_45 = arith.constant 1 : i32
        %parallel_loop3A_46 = vector.broadcast %parallel_loop3A_45 : i32 to vector<16xi32>
        %parallel_loop3A_47 = arith.addi %parallel_loop3A_44, %parallel_loop3A_46 : vector<16xi32>
        %parallel_loop3A_48 = arith.constant 8 : i32
        %parallel_loop3A_49 = vector.broadcast %parallel_loop3A_48 : i32 to vector<16xi32>
        %parallel_loop3A_50 = arith.cmpi sge, %parallel_loop3A_47, %parallel_loop3A_49 : vector<16xi32>
        %parallel_loop3A_51 = arith.cmpf ogt, %parallel_loop3A_41, %parallel_loop3A_18 : vector<16xf32>
        %parallel_loop3A_52 = arith.cmpf oeq, %parallel_loop3A_41, %parallel_loop3A_18 : vector<16xf32>
        %parallel_loop3A_53 = arith.andi %parallel_loop3A_52, %parallel_loop3A_50 : vector<16xi1>
        %parallel_loop3A_54 = arith.ori %parallel_loop3A_51, %parallel_loop3A_53 : vector<16xi1>
        %parallel_loop3A_55 = arith.constant 1 : i32
        %parallel_loop3A_56 = arith.constant 0 : i32
        %parallel_loop3A_57 = vector.broadcast %parallel_loop3A_55 : i32 to vector<16xi32>
        %parallel_loop3A_58 = vector.broadcast %parallel_loop3A_56 : i32 to vector<16xi32>
        %parallel_loop3A_59 = arith.select %parallel_loop3A_54, %parallel_loop3A_57, %parallel_loop3A_58 : vector<16xi1>, vector<16xi32>
        %parallel_loop3A_60 = arith.addi %parallel_loop3A_21, %parallel_loop3A_59 : vector<16xi32>
        %parallel_loop3A_61 = arith.constant 8 : i32
        %parallel_loop3A_62 = vector.broadcast %parallel_loop3A_61 : i32 to vector<16xi32>
        %parallel_loop3A_63 = arith.andi %parallel_loop3A_19, %parallel_loop3A_62 : vector<16xi32>
        %parallel_loop3A_64 = arith.constant 2 : i32
        %parallel_loop3A_65 = vector.broadcast %parallel_loop3A_64 : i32 to vector<16xi32>
        %parallel_loop3A_66 = arith.addi %parallel_loop3A_19, %parallel_loop3A_65 : vector<16xi32>
        %parallel_loop3A_67 = arith.constant 7 : i32
        %parallel_loop3A_68 = vector.broadcast %parallel_loop3A_67 : i32 to vector<16xi32>
        %parallel_loop3A_69 = arith.andi %parallel_loop3A_66, %parallel_loop3A_68 : vector<16xi32>
        %parallel_loop3A_70 = arith.ori %parallel_loop3A_63, %parallel_loop3A_69 : vector<16xi32>
        %parallel_loop3A_71 = arith.constant 0 : i32
        %parallel_loop3A_72 = vector.broadcast %parallel_loop3A_71 : i32 to vector<16xi32>
        %parallel_loop3A_73 = arith.cmpi slt, %parallel_loop3A_70, %parallel_loop3A_72 : vector<16xi32>
        %parallel_loop3A_74 = arith.constant 16 : i32
        %parallel_loop3A_75 = vector.broadcast %parallel_loop3A_74 : i32 to vector<16xi32>
        %parallel_loop3A_76 = arith.addi %parallel_loop3A_70, %parallel_loop3A_75 : vector<16xi32>
        %parallel_loop3A_77 = arith.select %parallel_loop3A_73, %parallel_loop3A_76, %parallel_loop3A_70 : vector<16xi1>, vector<16xi32>
        %parallel_loop3A_78 = vector.shape_cast %parallel_loop3A_77 : vector<16xi32> to vector<16x1xi32>
        %parallel_loop3A_79 = vector.shape_cast %parallel_loop3A_78 : vector<16x1xi32> to vector<16xi32>
        %parallel_loop3A_80 = tpu.dynamic_gather %parallel_loop3A_18[%parallel_loop3A_79] in [0] : vector<16xf32>, vector<16xi32> -> vector<16xf32>
        %parallel_loop3A_81 = arith.constant 7 : i32
        %parallel_loop3A_82 = vector.broadcast %parallel_loop3A_81 : i32 to vector<16xi32>
        %parallel_loop3A_83 = arith.andi %parallel_loop3A_19, %parallel_loop3A_82 : vector<16xi32>
        %parallel_loop3A_84 = arith.constant 2 : i32
        %parallel_loop3A_85 = vector.broadcast %parallel_loop3A_84 : i32 to vector<16xi32>
        %parallel_loop3A_86 = arith.addi %parallel_loop3A_83, %parallel_loop3A_85 : vector<16xi32>
        %parallel_loop3A_87 = arith.constant 8 : i32
        %parallel_loop3A_88 = vector.broadcast %parallel_loop3A_87 : i32 to vector<16xi32>
        %parallel_loop3A_89 = arith.cmpi sge, %parallel_loop3A_86, %parallel_loop3A_88 : vector<16xi32>
        %parallel_loop3A_90 = arith.cmpf ogt, %parallel_loop3A_80, %parallel_loop3A_18 : vector<16xf32>
        %parallel_loop3A_91 = arith.cmpf oeq, %parallel_loop3A_80, %parallel_loop3A_18 : vector<16xf32>
        %parallel_loop3A_92 = arith.andi %parallel_loop3A_91, %parallel_loop3A_89 : vector<16xi1>
        %parallel_loop3A_93 = arith.ori %parallel_loop3A_90, %parallel_loop3A_92 : vector<16xi1>
        %parallel_loop3A_94 = arith.constant 1 : i32
        %parallel_loop3A_95 = arith.constant 0 : i32
        %parallel_loop3A_96 = vector.broadcast %parallel_loop3A_94 : i32 to vector<16xi32>
        %parallel_loop3A_97 = vector.broadcast %parallel_loop3A_95 : i32 to vector<16xi32>
        %parallel_loop3A_98 = arith.select %parallel_loop3A_93, %parallel_loop3A_96, %parallel_loop3A_97 : vector<16xi1>, vector<16xi32>
        %parallel_loop3A_99 = arith.addi %parallel_loop3A_60, %parallel_loop3A_98 : vector<16xi32>
        %parallel_loop3A_100 = arith.constant 8 : i32
        %parallel_loop3A_101 = vector.broadcast %parallel_loop3A_100 : i32 to vector<16xi32>
        %parallel_loop3A_102 = arith.andi %parallel_loop3A_19, %parallel_loop3A_101 : vector<16xi32>
        %parallel_loop3A_103 = arith.constant 3 : i32
        %parallel_loop3A_104 = vector.broadcast %parallel_loop3A_103 : i32 to vector<16xi32>
        %parallel_loop3A_105 = arith.addi %parallel_loop3A_19, %parallel_loop3A_104 : vector<16xi32>
        %parallel_loop3A_106 = arith.constant 7 : i32
        %parallel_loop3A_107 = vector.broadcast %parallel_loop3A_106 : i32 to vector<16xi32>
        %parallel_loop3A_108 = arith.andi %parallel_loop3A_105, %parallel_loop3A_107 : vector<16xi32>
        %parallel_loop3A_109 = arith.ori %parallel_loop3A_102, %parallel_loop3A_108 : vector<16xi32>
        %parallel_loop3A_110 = arith.constant 0 : i32
        %parallel_loop3A_111 = vector.broadcast %parallel_loop3A_110 : i32 to vector<16xi32>
        %parallel_loop3A_112 = arith.cmpi slt, %parallel_loop3A_109, %parallel_loop3A_111 : vector<16xi32>
        %parallel_loop3A_113 = arith.constant 16 : i32
        %parallel_loop3A_114 = vector.broadcast %parallel_loop3A_113 : i32 to vector<16xi32>
        %parallel_loop3A_115 = arith.addi %parallel_loop3A_109, %parallel_loop3A_114 : vector<16xi32>
        %parallel_loop3A_116 = arith.select %parallel_loop3A_112, %parallel_loop3A_115, %parallel_loop3A_109 : vector<16xi1>, vector<16xi32>
        %parallel_loop3A_117 = vector.shape_cast %parallel_loop3A_116 : vector<16xi32> to vector<16x1xi32>
        %parallel_loop3A_118 = vector.shape_cast %parallel_loop3A_117 : vector<16x1xi32> to vector<16xi32>
        %parallel_loop3A_119 = tpu.dynamic_gather %parallel_loop3A_18[%parallel_loop3A_118] in [0] : vector<16xf32>, vector<16xi32> -> vector<16xf32>
        %parallel_loop3A_120 = arith.constant 7 : i32
        %parallel_loop3A_121 = vector.broadcast %parallel_loop3A_120 : i32 to vector<16xi32>
        %parallel_loop3A_122 = arith.andi %parallel_loop3A_19, %parallel_loop3A_121 : vector<16xi32>
        %parallel_loop3A_123 = arith.constant 3 : i32
        %parallel_loop3A_124 = vector.broadcast %parallel_loop3A_123 : i32 to vector<16xi32>
        %parallel_loop3A_125 = arith.addi %parallel_loop3A_122, %parallel_loop3A_124 : vector<16xi32>
        %parallel_loop3A_126 = arith.constant 8 : i32
        %parallel_loop3A_127 = vector.broadcast %parallel_loop3A_126 : i32 to vector<16xi32>
        %parallel_loop3A_128 = arith.cmpi sge, %parallel_loop3A_125, %parallel_loop3A_127 : vector<16xi32>
        %parallel_loop3A_129 = arith.cmpf ogt, %parallel_loop3A_119, %parallel_loop3A_18 : vector<16xf32>
        %parallel_loop3A_130 = arith.cmpf oeq, %parallel_loop3A_119, %parallel_loop3A_18 : vector<16xf32>
        %parallel_loop3A_131 = arith.andi %parallel_loop3A_130, %parallel_loop3A_128 : vector<16xi1>
        %parallel_loop3A_132 = arith.ori %parallel_loop3A_129, %parallel_loop3A_131 : vector<16xi1>
        %parallel_loop3A_133 = arith.constant 1 : i32
        %parallel_loop3A_134 = arith.constant 0 : i32
        %parallel_loop3A_135 = vector.broadcast %parallel_loop3A_133 : i32 to vector<16xi32>
        %parallel_loop3A_136 = vector.broadcast %parallel_loop3A_134 : i32 to vector<16xi32>
        %parallel_loop3A_137 = arith.select %parallel_loop3A_132, %parallel_loop3A_135, %parallel_loop3A_136 : vector<16xi1>, vector<16xi32>
        %parallel_loop3A_138 = arith.addi %parallel_loop3A_99, %parallel_loop3A_137 : vector<16xi32>
        %parallel_loop3A_139 = arith.constant 8 : i32
        %parallel_loop3A_140 = vector.broadcast %parallel_loop3A_139 : i32 to vector<16xi32>
        %parallel_loop3A_141 = arith.andi %parallel_loop3A_19, %parallel_loop3A_140 : vector<16xi32>
        %parallel_loop3A_142 = arith.constant 4 : i32
        %parallel_loop3A_143 = vector.broadcast %parallel_loop3A_142 : i32 to vector<16xi32>
        %parallel_loop3A_144 = arith.addi %parallel_loop3A_19, %parallel_loop3A_143 : vector<16xi32>
        %parallel_loop3A_145 = arith.constant 7 : i32
        %parallel_loop3A_146 = vector.broadcast %parallel_loop3A_145 : i32 to vector<16xi32>
        %parallel_loop3A_147 = arith.andi %parallel_loop3A_144, %parallel_loop3A_146 : vector<16xi32>
        %parallel_loop3A_148 = arith.ori %parallel_loop3A_141, %parallel_loop3A_147 : vector<16xi32>
        %parallel_loop3A_149 = arith.constant 0 : i32
        %parallel_loop3A_150 = vector.broadcast %parallel_loop3A_149 : i32 to vector<16xi32>
        %parallel_loop3A_151 = arith.cmpi slt, %parallel_loop3A_148, %parallel_loop3A_150 : vector<16xi32>
        %parallel_loop3A_152 = arith.constant 16 : i32
        %parallel_loop3A_153 = vector.broadcast %parallel_loop3A_152 : i32 to vector<16xi32>
        %parallel_loop3A_154 = arith.addi %parallel_loop3A_148, %parallel_loop3A_153 : vector<16xi32>
        %parallel_loop3A_155 = arith.select %parallel_loop3A_151, %parallel_loop3A_154, %parallel_loop3A_148 : vector<16xi1>, vector<16xi32>
        %parallel_loop3A_156 = vector.shape_cast %parallel_loop3A_155 : vector<16xi32> to vector<16x1xi32>
        %parallel_loop3A_157 = vector.shape_cast %parallel_loop3A_156 : vector<16x1xi32> to vector<16xi32>
        %parallel_loop3A_158 = tpu.dynamic_gather %parallel_loop3A_18[%parallel_loop3A_157] in [0] : vector<16xf32>, vector<16xi32> -> vector<16xf32>
        %parallel_loop3A_159 = arith.constant 7 : i32
        %parallel_loop3A_160 = vector.broadcast %parallel_loop3A_159 : i32 to vector<16xi32>
        %parallel_loop3A_161 = arith.andi %parallel_loop3A_19, %parallel_loop3A_160 : vector<16xi32>
        %parallel_loop3A_162 = arith.constant 4 : i32
        %parallel_loop3A_163 = vector.broadcast %parallel_loop3A_162 : i32 to vector<16xi32>
        %parallel_loop3A_164 = arith.addi %parallel_loop3A_161, %parallel_loop3A_163 : vector<16xi32>
        %parallel_loop3A_165 = arith.constant 8 : i32
        %parallel_loop3A_166 = vector.broadcast %parallel_loop3A_165 : i32 to vector<16xi32>
        %parallel_loop3A_167 = arith.cmpi sge, %parallel_loop3A_164, %parallel_loop3A_166 : vector<16xi32>
        %parallel_loop3A_168 = arith.cmpf ogt, %parallel_loop3A_158, %parallel_loop3A_18 : vector<16xf32>
        %parallel_loop3A_169 = arith.cmpf oeq, %parallel_loop3A_158, %parallel_loop3A_18 : vector<16xf32>
        %parallel_loop3A_170 = arith.andi %parallel_loop3A_169, %parallel_loop3A_167 : vector<16xi1>
        %parallel_loop3A_171 = arith.ori %parallel_loop3A_168, %parallel_loop3A_170 : vector<16xi1>
        %parallel_loop3A_172 = arith.constant 1 : i32
        %parallel_loop3A_173 = arith.constant 0 : i32
        %parallel_loop3A_174 = vector.broadcast %parallel_loop3A_172 : i32 to vector<16xi32>
        %parallel_loop3A_175 = vector.broadcast %parallel_loop3A_173 : i32 to vector<16xi32>
        %parallel_loop3A_176 = arith.select %parallel_loop3A_171, %parallel_loop3A_174, %parallel_loop3A_175 : vector<16xi1>, vector<16xi32>
        %parallel_loop3A_177 = arith.addi %parallel_loop3A_138, %parallel_loop3A_176 : vector<16xi32>
        %parallel_loop3A_178 = arith.constant 8 : i32
        %parallel_loop3A_179 = vector.broadcast %parallel_loop3A_178 : i32 to vector<16xi32>
        %parallel_loop3A_180 = arith.andi %parallel_loop3A_19, %parallel_loop3A_179 : vector<16xi32>
        %parallel_loop3A_181 = arith.constant 5 : i32
        %parallel_loop3A_182 = vector.broadcast %parallel_loop3A_181 : i32 to vector<16xi32>
        %parallel_loop3A_183 = arith.addi %parallel_loop3A_19, %parallel_loop3A_182 : vector<16xi32>
        %parallel_loop3A_184 = arith.constant 7 : i32
        %parallel_loop3A_185 = vector.broadcast %parallel_loop3A_184 : i32 to vector<16xi32>
        %parallel_loop3A_186 = arith.andi %parallel_loop3A_183, %parallel_loop3A_185 : vector<16xi32>
        %parallel_loop3A_187 = arith.ori %parallel_loop3A_180, %parallel_loop3A_186 : vector<16xi32>
        %parallel_loop3A_188 = arith.constant 0 : i32
        %parallel_loop3A_189 = vector.broadcast %parallel_loop3A_188 : i32 to vector<16xi32>
        %parallel_loop3A_190 = arith.cmpi slt, %parallel_loop3A_187, %parallel_loop3A_189 : vector<16xi32>
        %parallel_loop3A_191 = arith.constant 16 : i32
        %parallel_loop3A_192 = vector.broadcast %parallel_loop3A_191 : i32 to vector<16xi32>
        %parallel_loop3A_193 = arith.addi %parallel_loop3A_187, %parallel_loop3A_192 : vector<16xi32>
        %parallel_loop3A_194 = arith.select %parallel_loop3A_190, %parallel_loop3A_193, %parallel_loop3A_187 : vector<16xi1>, vector<16xi32>
        %parallel_loop3A_195 = vector.shape_cast %parallel_loop3A_194 : vector<16xi32> to vector<16x1xi32>
        %parallel_loop3A_196 = vector.shape_cast %parallel_loop3A_195 : vector<16x1xi32> to vector<16xi32>
        %parallel_loop3A_197 = tpu.dynamic_gather %parallel_loop3A_18[%parallel_loop3A_196] in [0] : vector<16xf32>, vector<16xi32> -> vector<16xf32>
        %parallel_loop3A_198 = arith.constant 7 : i32
        %parallel_loop3A_199 = vector.broadcast %parallel_loop3A_198 : i32 to vector<16xi32>
        %parallel_loop3A_200 = arith.andi %parallel_loop3A_19, %parallel_loop3A_199 : vector<16xi32>
        %parallel_loop3A_201 = arith.constant 5 : i32
        %parallel_loop3A_202 = vector.broadcast %parallel_loop3A_201 : i32 to vector<16xi32>
        %parallel_loop3A_203 = arith.addi %parallel_loop3A_200, %parallel_loop3A_202 : vector<16xi32>
        %parallel_loop3A_204 = arith.constant 8 : i32
        %parallel_loop3A_205 = vector.broadcast %parallel_loop3A_204 : i32 to vector<16xi32>
        %parallel_loop3A_206 = arith.cmpi sge, %parallel_loop3A_203, %parallel_loop3A_205 : vector<16xi32>
        %parallel_loop3A_207 = arith.cmpf ogt, %parallel_loop3A_197, %parallel_loop3A_18 : vector<16xf32>
        %parallel_loop3A_208 = arith.cmpf oeq, %parallel_loop3A_197, %parallel_loop3A_18 : vector<16xf32>
        %parallel_loop3A_209 = arith.andi %parallel_loop3A_208, %parallel_loop3A_206 : vector<16xi1>
        %parallel_loop3A_210 = arith.ori %parallel_loop3A_207, %parallel_loop3A_209 : vector<16xi1>
        %parallel_loop3A_211 = arith.constant 1 : i32
        %parallel_loop3A_212 = arith.constant 0 : i32
        %parallel_loop3A_213 = vector.broadcast %parallel_loop3A_211 : i32 to vector<16xi32>
        %parallel_loop3A_214 = vector.broadcast %parallel_loop3A_212 : i32 to vector<16xi32>
        %parallel_loop3A_215 = arith.select %parallel_loop3A_210, %parallel_loop3A_213, %parallel_loop3A_214 : vector<16xi1>, vector<16xi32>
        %parallel_loop3A_216 = arith.addi %parallel_loop3A_177, %parallel_loop3A_215 : vector<16xi32>
        %parallel_loop3A_217 = arith.constant 8 : i32
        %parallel_loop3A_218 = vector.broadcast %parallel_loop3A_217 : i32 to vector<16xi32>
        %parallel_loop3A_219 = arith.andi %parallel_loop3A_19, %parallel_loop3A_218 : vector<16xi32>
        %parallel_loop3A_220 = arith.constant 6 : i32
        %parallel_loop3A_221 = vector.broadcast %parallel_loop3A_220 : i32 to vector<16xi32>
        %parallel_loop3A_222 = arith.addi %parallel_loop3A_19, %parallel_loop3A_221 : vector<16xi32>
        %parallel_loop3A_223 = arith.constant 7 : i32
        %parallel_loop3A_224 = vector.broadcast %parallel_loop3A_223 : i32 to vector<16xi32>
        %parallel_loop3A_225 = arith.andi %parallel_loop3A_222, %parallel_loop3A_224 : vector<16xi32>
        %parallel_loop3A_226 = arith.ori %parallel_loop3A_219, %parallel_loop3A_225 : vector<16xi32>
        %parallel_loop3A_227 = arith.constant 0 : i32
        %parallel_loop3A_228 = vector.broadcast %parallel_loop3A_227 : i32 to vector<16xi32>
        %parallel_loop3A_229 = arith.cmpi slt, %parallel_loop3A_226, %parallel_loop3A_228 : vector<16xi32>
        %parallel_loop3A_230 = arith.constant 16 : i32
        %parallel_loop3A_231 = vector.broadcast %parallel_loop3A_230 : i32 to vector<16xi32>
        %parallel_loop3A_232 = arith.addi %parallel_loop3A_226, %parallel_loop3A_231 : vector<16xi32>
        %parallel_loop3A_233 = arith.select %parallel_loop3A_229, %parallel_loop3A_232, %parallel_loop3A_226 : vector<16xi1>, vector<16xi32>
        %parallel_loop3A_234 = vector.shape_cast %parallel_loop3A_233 : vector<16xi32> to vector<16x1xi32>
        %parallel_loop3A_235 = vector.shape_cast %parallel_loop3A_234 : vector<16x1xi32> to vector<16xi32>
        %parallel_loop3A_236 = tpu.dynamic_gather %parallel_loop3A_18[%parallel_loop3A_235] in [0] : vector<16xf32>, vector<16xi32> -> vector<16xf32>
        %parallel_loop3A_237 = arith.constant 7 : i32
        %parallel_loop3A_238 = vector.broadcast %parallel_loop3A_237 : i32 to vector<16xi32>
        %parallel_loop3A_239 = arith.andi %parallel_loop3A_19, %parallel_loop3A_238 : vector<16xi32>
        %parallel_loop3A_240 = arith.constant 6 : i32
        %parallel_loop3A_241 = vector.broadcast %parallel_loop3A_240 : i32 to vector<16xi32>
        %parallel_loop3A_242 = arith.addi %parallel_loop3A_239, %parallel_loop3A_241 : vector<16xi32>
        %parallel_loop3A_243 = arith.constant 8 : i32
        %parallel_loop3A_244 = vector.broadcast %parallel_loop3A_243 : i32 to vector<16xi32>
        %parallel_loop3A_245 = arith.cmpi sge, %parallel_loop3A_242, %parallel_loop3A_244 : vector<16xi32>
        %parallel_loop3A_246 = arith.cmpf ogt, %parallel_loop3A_236, %parallel_loop3A_18 : vector<16xf32>
        %parallel_loop3A_247 = arith.cmpf oeq, %parallel_loop3A_236, %parallel_loop3A_18 : vector<16xf32>
        %parallel_loop3A_248 = arith.andi %parallel_loop3A_247, %parallel_loop3A_245 : vector<16xi1>
        %parallel_loop3A_249 = arith.ori %parallel_loop3A_246, %parallel_loop3A_248 : vector<16xi1>
        %parallel_loop3A_250 = arith.constant 1 : i32
        %parallel_loop3A_251 = arith.constant 0 : i32
        %parallel_loop3A_252 = vector.broadcast %parallel_loop3A_250 : i32 to vector<16xi32>
        %parallel_loop3A_253 = vector.broadcast %parallel_loop3A_251 : i32 to vector<16xi32>
        %parallel_loop3A_254 = arith.select %parallel_loop3A_249, %parallel_loop3A_252, %parallel_loop3A_253 : vector<16xi1>, vector<16xi32>
        %parallel_loop3A_255 = arith.addi %parallel_loop3A_216, %parallel_loop3A_254 : vector<16xi32>
        %parallel_loop3A_256 = arith.constant 8 : i32
        %parallel_loop3A_257 = vector.broadcast %parallel_loop3A_256 : i32 to vector<16xi32>
        %parallel_loop3A_258 = arith.andi %parallel_loop3A_19, %parallel_loop3A_257 : vector<16xi32>
        %parallel_loop3A_259 = arith.constant 7 : i32
        %parallel_loop3A_260 = vector.broadcast %parallel_loop3A_259 : i32 to vector<16xi32>
        %parallel_loop3A_261 = arith.addi %parallel_loop3A_19, %parallel_loop3A_260 : vector<16xi32>
        %parallel_loop3A_262 = arith.constant 7 : i32
        %parallel_loop3A_263 = vector.broadcast %parallel_loop3A_262 : i32 to vector<16xi32>
        %parallel_loop3A_264 = arith.andi %parallel_loop3A_261, %parallel_loop3A_263 : vector<16xi32>
        %parallel_loop3A_265 = arith.ori %parallel_loop3A_258, %parallel_loop3A_264 : vector<16xi32>
        %parallel_loop3A_266 = arith.constant 0 : i32
        %parallel_loop3A_267 = vector.broadcast %parallel_loop3A_266 : i32 to vector<16xi32>
        %parallel_loop3A_268 = arith.cmpi slt, %parallel_loop3A_265, %parallel_loop3A_267 : vector<16xi32>
        %parallel_loop3A_269 = arith.constant 16 : i32
        %parallel_loop3A_270 = vector.broadcast %parallel_loop3A_269 : i32 to vector<16xi32>
        %parallel_loop3A_271 = arith.addi %parallel_loop3A_265, %parallel_loop3A_270 : vector<16xi32>
        %parallel_loop3A_272 = arith.select %parallel_loop3A_268, %parallel_loop3A_271, %parallel_loop3A_265 : vector<16xi1>, vector<16xi32>
        %parallel_loop3A_273 = vector.shape_cast %parallel_loop3A_272 : vector<16xi32> to vector<16x1xi32>
        %parallel_loop3A_274 = vector.shape_cast %parallel_loop3A_273 : vector<16x1xi32> to vector<16xi32>
        %parallel_loop3A_275 = tpu.dynamic_gather %parallel_loop3A_18[%parallel_loop3A_274] in [0] : vector<16xf32>, vector<16xi32> -> vector<16xf32>
        %parallel_loop3A_276 = arith.constant 7 : i32
        %parallel_loop3A_277 = vector.broadcast %parallel_loop3A_276 : i32 to vector<16xi32>
        %parallel_loop3A_278 = arith.andi %parallel_loop3A_19, %parallel_loop3A_277 : vector<16xi32>
        %parallel_loop3A_279 = arith.constant 7 : i32
        %parallel_loop3A_280 = vector.broadcast %parallel_loop3A_279 : i32 to vector<16xi32>
        %parallel_loop3A_281 = arith.addi %parallel_loop3A_278, %parallel_loop3A_280 : vector<16xi32>
        %parallel_loop3A_282 = arith.constant 8 : i32
        %parallel_loop3A_283 = vector.broadcast %parallel_loop3A_282 : i32 to vector<16xi32>
        %parallel_loop3A_284 = arith.cmpi sge, %parallel_loop3A_281, %parallel_loop3A_283 : vector<16xi32>
        %parallel_loop3A_285 = arith.cmpf ogt, %parallel_loop3A_275, %parallel_loop3A_18 : vector<16xf32>
        %parallel_loop3A_286 = arith.cmpf oeq, %parallel_loop3A_275, %parallel_loop3A_18 : vector<16xf32>
        %parallel_loop3A_287 = arith.andi %parallel_loop3A_286, %parallel_loop3A_284 : vector<16xi1>
        %parallel_loop3A_288 = arith.ori %parallel_loop3A_285, %parallel_loop3A_287 : vector<16xi1>
        %parallel_loop3A_289 = arith.constant 1 : i32
        %parallel_loop3A_290 = arith.constant 0 : i32
        %parallel_loop3A_291 = vector.broadcast %parallel_loop3A_289 : i32 to vector<16xi32>
        %parallel_loop3A_292 = vector.broadcast %parallel_loop3A_290 : i32 to vector<16xi32>
        %parallel_loop3A_293 = arith.select %parallel_loop3A_288, %parallel_loop3A_291, %parallel_loop3A_292 : vector<16xi1>, vector<16xi32>
        %parallel_loop3A_294 = arith.addi %parallel_loop3A_255, %parallel_loop3A_293 : vector<16xi32>
        %parallel_loop3A_295 = arith.constant 4 : i32
        %parallel_loop3A_296 = vector.broadcast %parallel_loop3A_295 : i32 to vector<16xi32>
        %parallel_loop3A_297 = arith.cmpi slt, %parallel_loop3A_294, %parallel_loop3A_296 : vector<16xi32>
        %parallel_loop3A_298 = arith.constant 0.000000e+00 : f32
        %parallel_loop3A_299 = vector.broadcast %parallel_loop3A_298 : f32 to vector<16xf32>
        %parallel_loop3A_300 = arith.select %parallel_loop3A_297, %parallel_loop3A_17, %parallel_loop3A_299 : vector<16xi1>, vector<16xf32>
        %parallel_loop3A_301 = arith.index_cast %parallel_loop3A_14 : i32 to index
        %parallel_loop3A_302 = tpu.vector_load %arg4[%parallel_loop3A_301] {strides = array<i32>} : memref<32768xf32, #tpu.memory_space<vmem>>, vector<16xf32>,
        %parallel_loop3A_303 = vector.shape_cast %parallel_loop3A_302 : vector<16xf32> to vector<16xf32>
        %parallel_loop3A_304 = vector.shape_cast %parallel_loop3A_300 : vector<16xf32> to vector<16xf32>
        tpu.vector_store %arg4[%parallel_loop3A_301], %parallel_loop3A_304 {strides = array<i32>} : memref<32768xf32, #tpu.memory_space<vmem>>, vector<16xf32>,
      } {sc.loop_unroll_factor = 8 : i64, sc.parallel_access}
      "tpu.region"() ({
        %run_scoped3A = tpu.sem_alloc : memref<!tpu.dma_semaphore, #tpu.memory_space<semaphore_mem>>
        %dma_start3A = tpu.memref_slice %arg3[%add3A_11] : memref<67108864xf32, #tpu.memory_space<hbm>> -> memref<32768xf32, #tpu.memory_space<hbm>>
        %dma_start3A_14 = tpu.memref_slice %arg3[%add3A_11] : memref<67108864xf32, #tpu.memory_space<hbm>> -> memref<32768xf32, #tpu.memory_space<hbm>>
        tpu.enqueue_dma source(%arg4 : memref<32768xf32, #tpu.memory_space<vmem>>) target(%dma_start3A_14 : memref<32768xf32, #tpu.memory_space<hbm>>) target_semaphore(%run_scoped3A : memref<!tpu.dma_semaphore, #tpu.memory_space<semaphore_mem>>)
        %dma_wait3A = tpu.memref_slice %arg3[%add3A_11] : memref<67108864xf32, #tpu.memory_space<hbm>> -> memref<32768xf32, #tpu.memory_space<hbm>>
        %dma_wait3A_15 = tpu.memref_slice %arg3[%add3A_11] : memref<67108864xf32, #tpu.memory_space<hbm>> -> memref<32768xf32, #tpu.memory_space<hbm>>
        tpu.wait_dma2 semaphore(%run_scoped3A : memref<!tpu.dma_semaphore, #tpu.memory_space<semaphore_mem>>) src(%arg4 : memref<32768xf32, #tpu.memory_space<vmem>>) dst(%dma_wait3A_15 : memref<32768xf32, #tpu.memory_space<hbm>>)
        tpu.yield
      }) : () -> ()
    }
    %scan3A_7 = arith.constant 64 : i32
    return
  }
}

</mosaic_0001>

<sc_bundles>
// kernel: kernel.3.cloned.1.call-start
scs
__scs_entry_jumppad:
0x0: {  	(pc) =	sbr.rel $0x88, $3  }
0x1: {  	(tag) =	ssettag $0x0;
	lr =	simm.s32 $0x1  }
0x2: {  	[smem:$0x3FA0] =	sst lr;
	_ =	strace $0xD0000000  }
0x3: {  	_ = 	snop  }
0x4: {  	_ = 	snop  }
0x5: {  	_ = 	snop  }
0x6: {  	_ = 	snop  }
0x7: {  	_ = 	snop  }
__scs_overlays_trampoline_lowered:
0x8: {  	[smem:$0x3FAF] =	sst s0  }
0x9: {  	[smem:$0x3FB0] =	sst s1  }
0xa: {  	[smem:$0x3FB1] =	sst s2  }
0xb: {  	[smem:$0x3FB2] =	sst s3  }
0xc: {  	[smem:$0x3FB3] =	sst s4  }
0xd: {  	[smem:$0x3FB4] =	sst s5  }
0xe: {  	[smem:$0x3FB5] =	sst s6  }
0xf: {  	[smem:$0x3FB6] =	sst s7  }
0x10: {  	[smem:$0x3FB7] =	sst s8  }
0x11: {  	[smem:$0x3FB8] =	sst s9;
	s0 =	simm.s32 @!p0 $0x0  }
0x12: {  	s1 =	sld [smem:$0x3F9E];
	s0 =	simm.s32 @p0 $0x1  }
0x13: {  	[smem:$0x3FB9] =	sst s0;
	s0 =	simm.s32 @!p1 $0x0  }
0x14: {  	s2 =	sld [smem:$0x3F9D];
	s0 =	simm.s32 @p1 $0x1  }
0x15: {  	[smem:$0x3FBA] =	sst s0;
	s0 =	simm.s32 @!p2 $0x0  }
0x16: {  	s3 =	sld [smem:$0x3FDB];
	s0 =	simm.s32 @p2 $0x1  }
0x17: {  	s4 =	simm.s32 $0x1BF5;
	[smem:$0x3FBC] =	sst s0  }
0x18: {  	s0 =	sld [smem:$0x3F9F];
	_ =	swait.ge [sflag:s4], $0x0  }
0x19: {  	s7 =	sld [smem:$0x3FA0]  }
0x1a: {  	s8 =	sadd.s32 $0xFFFFE003, lr  }
0x1b: {  	s9 =	sadd.s32 $0xFFFFFEF7, lr;
	s5 =	simm.s32 $0xFFFFFFFF;
	p2 =	slt.u32 s8, $0xFFFFF086  }
0x1c: {  	p1 =	slt.u32 s9, $0xF7A;
	s5 =	simm.s32 @!p2 $0x0  }
0x1d: {  	s5 =	simm.s32 @p1 $0x1;
	p0 =	seq.s32 s7, s2  }
0x1e: {  	s7 =	smul.u32 @!p0 $0xF7A, s2;
	p2 =	seq.s32 @!p0 s5, $0x0  }
0x1f: {  	s9 =	smul.u32 $0xF7A, s1;
	s8 =	simm.s32 @!p0 $0x1BF5;
	p2 =	por !p2, p0  }
0x20: {  	[sflag:s8] =	ssyncset.s32 @!p0 $0xFFFFF086;
	s6 =	sadd.s32 @!p0 s3, s7;
	s7 =	simm.s32 @!p0 $0x108  }
0x21: {  	s3 =	sadd.s32 s3, s9;
	s6 =	sadd.s32 @!p0 $0x88, s6;
	s7 =	simm.s32 @p2 $0x1082  }
0x22: {  	[simem:s7], [sflag:s8] =	dma.local @!p0 [hbm:s6], $0xF7A  }
0x23: {  	s9 =	sor.u32 $0xD0000000, s2;
	s6 =	simm.s32 $0x108;
	_ =	swait.ge @!p0 [sflag:s8], $0x0  }
0x24: {  	s3 =	sadd.s32 $0x88, s3;
	s6 =	simm.s32 @!p1 $0x1082;
	[sflag:s4] =	ssyncset.s32 $0xFFFFF086  }
0x25: {  	[simem:s6], [sflag:s4] =	dma.local [hbm:s3], $0xF7A  }
0x26: {  	[smem:$0x3FA0] =	sst s1;
	(tag) =	ssettag s2;
	_ =	strace s9  }
0x27: {  	s1 =	sld [smem:$0x3FB0]  }
0x28: {  	s2 =	sld [smem:$0x3FB1]  }
0x29: {  	s4 =	sld [smem:$0x3FB3]  }
0x2a: {  	p0 =	seq.s32 s5, $0x0;
	s5 =	sld [smem:$0x3FB4]  }
0x2b: {  	s6 =	sld [smem:$0x3FB5]  }
0x2c: {  	s7 =	sld [smem:$0x3FB6]  }
0x2d: {  	s3 =	simm.s32 $0x108;
	s8 =	sld [smem:$0x3FB7]  }
0x2e: {  	s3 =	simm.s32 @!p0 $0x1082;
	s9 =	sld [smem:$0x3FB8]  }
0x2f: {  	lr =	sadd.s32 s0, s3;
	s0 =	sld [smem:$0x3FAF]  }
0x30: {  	s3 =	sld [smem:$0x3FB2]  }
0x31: {  	[smem:$0x3FBB] =	sst s10  }
0x32: {  	s10 =	sld [smem:$0x3FB9];
	_ =	sdelay $0x3  }
0x33: {  	p0 =	seq.s32 s10, $0x1;
	s10 =	sld [smem:$0x3FBB];
	_ =	sdelay $0x3  }
0x34: {  	[smem:$0x3FBB] =	sst s10  }
0x35: {  	s10 =	sld [smem:$0x3FBA];
	_ =	sdelay $0x3  }
0x36: {  	p1 =	seq.s32 s10, $0x1;
	s10 =	sld [smem:$0x3FBB];
	_ =	sdelay $0x3  }
0x37: {  	[smem:$0x3FBB] =	sst s10  }
0x38: {  	s10 =	sld [smem:$0x3FBC]  }
0x39: {  	_ = 	snop;
	(pc) =	sbr.ind lr, $3  }
0x3a: {  	_ = 	snop  }
0x3b: {  	_ = 	snop  }
0x3c: {  	p2 =	seq.s32 s10, $0x1;
	s10 =	sld [smem:$0x3FBB]  }
0x3d: {  	_ =	shalt  }
0x3e: {  	_ =	shalt  }
0x3f: {  	_ =	shalt  }
0x40: {  	_ =	shalt  }
0x41: {  	_ =	shalt  }
0x42: {  	_ =	shalt  }
0x43: {  	_ =	shalt  }
0x44: {  	_ =	shalt  }
0x45: {  	_ =	shalt  }
0x46: {  	_ =	shalt  }
0x47: {  	_ =	shalt  }
0x48: {  	_ =	shalt  }
0x49: {  	_ =	shalt  }
0x4a: {  	_ =	shalt  }
0x4b: {  	_ =	shalt  }
0x4c: {  	_ =	shalt  }
0x4d: {  	_ =	shalt  }
0x4e: {  	_ =	shalt  }
0x4f: {  	_ =	shalt  }
0x50: {  	_ =	shalt  }
0x51: {  	_ =	shalt  }
0x52: {  	_ =	shalt  }
0x53: {  	_ =	shalt  }
0x54: {  	_ =	shalt  }
0x55: {  	_ =	shalt  }
0x56: {  	_ =	shalt  }
0x57: {  	_ =	shalt  }
0x58: {  	_ =	shalt  }
0x59: {  	_ =	shalt  }
0x5a: {  	_ =	shalt  }
0x5b: {  	_ =	shalt  }
0x5c: {  	_ =	shalt  }
0x5d: {  	_ =	shalt  }
0x5e: {  	_ =	shalt  }
0x5f: {  	_ =	shalt  }
0x60: {  	_ =	shalt  }
0x61: {  	_ =	shalt  }
0x62: {  	_ =	shalt  }
0x63: {  	_ =	shalt  }
0x64: {  	_ =	shalt  }
0x65: {  	_ =	shalt  }
0x66: {  	_ =	shalt  }
0x67: {  	_ =	shalt  }
0x68: {  	_ =	shalt  }
0x69: {  	_ =	shalt  }
0x6a: {  	_ =	shalt  }
0x6b: {  	_ =	shalt  }
0x6c: {  	_ =	shalt  }
0x6d: {  	_ =	shalt  }
0x6e: {  	_ =	shalt  }
0x6f: {  	_ =	shalt  }
0x70: {  	_ =	shalt  }
0x71: {  	_ =	shalt  }
0x72: {  	_ =	shalt  }
0x73: {  	_ =	shalt  }
0x74: {  	_ =	shalt  }
0x75: {  	_ =	shalt  }
0x76: {  	_ =	shalt  }
0x77: {  	_ =	shalt  }
0x78: {  	_ =	shalt  }
0x79: {  	_ =	shalt  }
0x7a: {  	_ =	shalt  }
0x7b: {  	_ =	shalt  }
0x7c: {  	_ =	shalt  }
0x7d: {  	_ =	shalt  }
0x7e: {  	_ =	shalt  }
0x7f: {  	_ =	shalt  }
0x80: {  	_ =	shalt  }
0x81: {  	_ =	shalt  }
0x82: {  	_ =	shalt  }
0x83: {  	_ =	shalt  }
0x84: {  	_ =	shalt  }
0x85: {  	_ =	shalt  }
0x86: {  	_ =	shalt  }
0x87: {  	_ =	shalt  }
.Lfunc_end0:
.L_simem_size_0:
called_computation.1_lowered:
.L_overlay_start_0:
0x88: {  	s2 =	sld [smem:$0x3FD9]  }
0x89: {  	s3 =	sld [smem:$0x3FFE];
	_ =	sdelay $0x1  }
0x8a: {  	s1 =	srdreg.scid  }
0x8b: {  	s0 =	sand.u32 $0x1, s1  }
0x8c: {  	s17 =	sshll.u32 s0, $0xA;
	s2 =	sadd.s32 s3, s2  }
0x8d: {  	s2 =	sadd.s32 s2, s17  }
0x8e: {  	[smem:$0x3FC7] =	sst s2  }
0x8f: {  	_ = 	snop  }
0x90: {  	s2 =	sld [smem:$0x3FD0];
	(tm) =	ssettm $0x1  }
0x91: {  	s18 =	sld [smem:$0x3FFB];
	_ =	sdelay $0x3  }
0x92: {  	_ =	strace s18  }
0x93: {  	s3 =	sld [smem:$0x3FFC];
	_ =	sdelay $0x3  }
0x94: {  	_ =	strace s3  }
0x95: {  	s3 =	sld [smem:$0x3FFD];
	_ =	sdelay $0x3  }
0x96: {  	_ =	strace s3  }
0x97: {  	_ =	strace $0x8FFFFFFF  }
0x98: {  	s19 =	sld [smem:$0x3FDB];
	_ =	sdelay $0x1  }
0x99: {  	s4 =	simm.s32 $_scs_section_size  }
0x9a: {  	s5 =	simm.s32 $_size__tile_overlayer_lowered;
	s6 =	simm.s32 $_tile_overlayer_lowered  }
0x9b: {  	s22 =	simm.s32 $0x1BFF;
	s21 =	sshll.u32 s6, $0x1;
	s3 =	sadd.s32 s4, s19  }
0x9c: {  	s7 =	simm.s32 $0x0;
	s20 =	sshll.u32 s5, $0x1;
	s5 =	sadd.s32 s21, s3  }
0x9d: {  	[timem:s7], [sflag:s22] =	dma.local [hbm:s5], s20  }
0x9e: {  	_ =	swait.ge [sflag:s22], s20  }
0x9f: {  	s4 =	ssub.s32 $0x0, s20;
	[sflag:s22] =	ssyncset.done $0x0  }
0xa0: {  	[sflag:s22] =	ssyncadd.s32 s4;
	_ =	sdelay $0x1  }
0xa1: {  	s23 =	simm.s32 $0x1B8B  }
0xa2: {  	_ =	swait.ge [sflag:s23], $0x1  }
0xa3: {  	[sflag:s23] =	ssyncset.done $0x0  }
0xa4: {  	s25 =	simm.s32 $0x1B8E;
	s24 =	sld [smem:$0x3FFE];
	[sflag:s23] =	ssyncadd.s32 $0xFFFFFFFF  }
0xa5: {  	s26 =	simm.s32 $execute0_lowered;
	[smem:$0x3FD2] =	sst s25  }
0xa6: {  	s5 =	sshll.u32 s26, $0x1;
	_ =	strace $0x80000049;
	[dreg:$0x1] =	wrdreg $0xFFFFFFFF  }
0xa7: {  	s28 =	simm.s32 $_size_execute0_lowered;
	s3 =	sadd.s32 s3, s5;
	[dreg:$0x0] =	wrdreg $0x0  }
0xa8: {  	s5 =	sshll.u32 s28, $0x1;
	[dreg:$0x2] =	wrdreg s3  }
0xa9: {  	[dreg:$0x3] =	wrdreg s5  }
0xaa: {  	[dreg:$0x4] =	wrdreg $0xC0  }
0xab: {  	_ =	task [dreg:s7], $0x5FFFF  }
0xac: {  	[dreg:$0x1] =	wrdreg $0xFFFFFFFF  }
0xad: {  	[dreg:$0x0] =	wrdreg $0x60  }
0xae: {  	[dreg:$0x2] =	wrdreg s2  }
0xaf: {  	[dreg:$0x3] =	wrdreg s24  }
0xb0: {  	[dreg:$0x4] =	wrdreg $0x9  }
0xb1: {  	_ =	task.clear_ibuf [dreg:s7], $0x5FFFF;
	_ =	strace $0x90000049  }
0xb2: {  	s29 =	simm.s32 $0x9;
	_ =	strace $0x8000004B  }
0xb3: {  	_ =	swait.ge [sflag:s29], $0x1  }
0xb4: {  	[sflag:s29] =	ssyncadd.s32 $0xFFFFFFFF  }
0xb5: {  	_ =	strace $0x9000004B  }
0xb6: {  	_ =	sfence  }
0xb7: {  	s30 =	sld [smem:$0x0];
	_ =	sdelay $0x2  }
0xb8: {  	s31 =	sshll.u32 s1, $0xD;
	s1 =	sshrl.u32 s1, $0x2  }
0xb9: {  	s3 =	sand.u32 $0x4000, s31;
	s1 =	sadd.s32 s1, s30  }
0xba: {  	s0 =	sor.u32 s3, s0;
	s1 =	sshll.u32 s1, $0x11  }
0xbb: {  	s0 =	sor.u32 s1, s0  }
0xbc: {  	s0 =	sadd.s32 $0x8F2B, s0  }
0xbd: {  	[sflag:s0] =	ssyncadd.remote.s32 $0x1  }
0xbe: {  	_ =	sfence.sel $0xFFFF  }
0xbf: {  	[dreg:$0x0] =	wrdreg $0xFFFFFFFF;
	(pc) =	sbr.abs _section_cstart, $3  }
0xc0: {  	[dreg:$0x1] =	wrdreg $0xFFFFFFFF  }
0xc1: {  	_ =	task.clear_ibuf [dreg:s7], $0x2FFFF;
	_ =	strace $0x9FFFFFFF  }
0xc2: {  	(tm) =	ssettm $0x7FFFFFFF  }
0xc3: {  	_ =	shalt  }
tec
execute0_lowered:
.L_overlay_start_1:
0x0: {  	(tag) =	ssettag $0x1  }
0x1: {  	v0 =	vimm.s32 $0x8FEDCBA9;
	v1 =	vimm.s32 $0x7654321;
	v2 =	vimm.s32 $0x98FEDCBA  }
0x2: {  	v3 =	vimm.s32 $0x10765432;
	vm0 =	vcmask $0x3F3C;
	vm1 =	vcmask $0x1F1C  }
0x3: {  	v5 =	vimm.s32 $0xBA98FEDC;
	v6 =	vimm.s32 $0x32107654;
	vm9 =	vcmask $0x3F38  }
0x4: {  	vm10 =	vcmask $0x1F18;
	v0 =	vunpack.c.l.s4.s8 v0;
	v1 =	vunpack.c.l.s4.s8 v1  }
0x5: {  	v7 =	vimm.s32 $0xDCBA98FE;
	v8 =	vimm.s32 $0x54321076;
	v2 =	vunpack.c.l.s4.s8 v2  }
0x6: {  	v3 =	vunpack.c.l.s4.s8 v3;
	v0 =	vunpack.c.0.s8.s32 v0;
	v1 =	vunpack.c.0.s8.s32 v1  }
0x7: {  	vm11 =	vcmask $0x3F34;
	vm8 =	vcmask $0x1F14;
	v9 =	vimm.s32 $0x0  }
0x8: {  	v0 =	vcombine.low v1, v0;
	v1 =	vunpack.c.0.s8.s32 v2;
	v2 =	vunpack.c.0.s8.s32 v3  }
0x9: {  	v62 =	vimm.s32 $0x65432107;
	v5 =	vunpack.c.l.s4.s8 v5;
	v6 =	vunpack.c.l.s4.s8 v6  }
0xa: {  	v3 =	vimm.s32 $0xA98FEDCB;
	v2 =	vcombine.low v2, v1;
	v1 =	vimm.s32 $0x21076543  }
0xb: {  	vm2 =	vcmask $0x3F2C;
	v3 =	vunpack.c.l.s4.s8 v3;
	v4 =	vunpack.c.l.s4.s8 v1  }
0xc: {  	vm3 =	vcmask $0x1F0C;
	v5 =	vunpack.c.0.s8.s32 v5;
	v6 =	vunpack.c.0.s8.s32 v6  }
0xd: {  	vm15 =	vmor vm1, vm0;
	v3 =	vunpack.c.0.s8.s32 v3;
	v4 =	vunpack.c.0.s8.s32 v4  }
0xe: {  	v7 =	vunpack.c.l.s4.s8 v7;
	v8 =	vunpack.c.l.s4.s8 v8;
	v5 =	vcombine.low v6, v5  }
0xf: {  	v6 =	vimm.s32 $0x43210765;
	v3 =	vcombine.low v4, v3;
	v4 =	vimm.s32 $0xCBA98FED  }
0x10: {  	vm4 =	vmor vm10, vm9;
	v6 =	vunpack.c.l.s4.s8 v6;
	v4 =	vunpack.c.l.s4.s8 v4  }
0x11: {  	vm0 =	vmor vm8, vm11;
	v7 =	vunpack.c.0.s8.s32 v7;
	v8 =	vunpack.c.0.s8.s32 v8  }
0x12: {  	vm9 =	vcmask $0x3F30;
	v6 =	vunpack.c.0.s8.s32 v6;
	v4 =	vunpack.c.0.s8.s32 v4  }
0x13: {  	vm10 =	vcmask $0x1F10;
	v7 =	vcombine.low v8, v7;
	v8 =	vimm.s32 $0xEDCBA98F  }
0x14: {  	v6 =	vcombine.low v6, v4;
	v4 =	vand.u32 $0xF, v5;
	v5 =	vunpack.c.l.s4.s8 v8  }
0x15: {  	s0 =	rddreg [dreg:$0x0];
	vm11 =	vmor vm3, vm2;
	v9 =	vsel vm0, $0xFFFFFFFF, v9;
	vm0 =	vmor vm10, vm9  }
0x16: {  	s4 =	rddreg [dreg:$0x1];
	s2 =	simm.s32 $0x0;
	v8 =	vunpack.c.l.s4.s8 v62;
	v63 =	vunpack.c.0.s8.s32 v5;
	v5 =	vimm.s32 $0x0  }
0x17: {  	[smem:$0x7FF] =	sst s2;
	vm8 =	vcmask $0x3F28;
	vm9 =	vcmask $0x1F08;
	[tilespmem:$0x1FF90] =	vst v9;
	v5 =	vsel vm0, $0xFFFFFFFF, v5  }
0x18: {  	s1 =	rddreg [dreg:$0x2];
	_ =	strace $0x8000004A;
	v8 =	vunpack.c.0.s8.s32 v8;
	[tilespmem:$0x1FFA0] =	vst v5;
	v5 =	vand.u32 $0xF, v6;
	v6 =	vimm.s32 $0x0  }
0x19: {  	vm10 =	vcmask $0x3F24;
	vm0 =	vmor vm9, vm8;
	v6 =	vsel vm11, $0xFFFFFFFF, v6  }
0x1a: {  	v8 =	vcombine.low v8, v63;
	vm11 =	vcmask $0x1F04;
	[tilespmem:$0x1FFB0] =	vst v6;
	v6 =	vimm.s32 $0x0  }
0x1b: {  	v6 =	vsel vm0, $0xFFFFFFFF, v6;
	vm0 =	vmor vm11, vm10  }
0x1c: {  	[tilespmem:$0x1FFC0] =	vst v6;
	v6 =	vand.u32 $0xF, v7;
	v7 =	vand.u32 $0xF, v8;
	v8 =	vimm.s32 $0x0  }
0x1d: {  	s3 =	srdreg.scid;
	v8 =	vsel vm0, $0xFFFFFFFF, v8  }
0x1e: {  	s5 =	sand.u32 $0x1, s3;
	[tilespmem:$0x1FFD0] =	vst v8;
	v8 =	vimm.s32 $0x0  }
0x1f: {  	s3 =	stileid.u32;
	s6 =	ssub.s32 $0x2, s5;
	v8 =	vsel vm15, $0xFFFFFFFF, v8  }
0x20: {  	s8 =	sshll.u32 s3, $0x13;
	s5 =	sshll.u32 s5, $0x12;
	s7 =	sshrl.u32 s6, $0x1;
	[tilespmem:$0x1FFE0] =	vst v8;
	v8 =	vimm.s32 $0x0  }
0x21: {  	s4 =	sadd.s32 $0x800, s4;
	s5 =	sor.u32 s5, s8;
	s6 =	ssub.s32 s6, s7;
	v0 =	vand.u32 $0xF, v0;
	v8 =	vsel vm4, $0xFFFFFFFF, v8  }
0x22: {  	s8 =	simm.s32 $0x0;
	s7 =	simm.s32 $0x1;
	s6 =	smax.u32 s6, $0x1;
	v1 =	vimm.s32 $0x0;
	v2 =	vand.u32 $0xF, v2;
	v3 =	vand.u32 $0xF, v3;
	[tilespmem:$0x1FFF0] =	vst v8  }
.LBB2_1:
0x23: {  	s9 =	simm.s32 $0x0  }
.LBB2_2:
0x24: {  	s10 =	sshll.u32 s9, $0xC  }
0x25: {  	s10 =	sadd.s32 s5, s10  }
0x26: {  	s11 =	sadd.s32 s0, s10  }
0x27: {  	[tilespmem:s2], [sflag:$0x1] =	stream.linear.gather [hbm4b:s11+s2], $0x8000, $0x38;
	[tilespmem:$0x8000] =	vst v63  }
0x28: {  	_ =	swait.ge [sflag:s7], $0x8000  }
0x29: {  	[sflag:s7] =	ssyncset.done $0x0  }
0x2a: {  	s11 =	simm.s32 $0x40;
	[sflag:s7] =	ssyncadd.s32 $0xFFFF8000  }
0x2b: {  	v15 =	vld [tilespmem:s11+$0x30];
	_ =	sdelay $0x4  }
0x2c: {  	v10 =	vand.u32 $0x7FFFFFFF, v15  }
0x2d: {  	v12 =	vperm.xlane v10, v6  }
0x2e: {  	v13 =	vperm.xlane v10, v7;
	v14 =	vperm.xlane v10, v4  }
0x2f: {  	v19 =	vperm.xlane v10, v5;
	v20 =	vperm.xlane v10, v0  }
0x30: {  	v23 =	vimm.s32 $0x0;
	v21 =	vperm.xlane v10, v3;
	v22 =	vperm.xlane v10, v2  }
0x31: {  	vm1 =	vgt.f32 v12, v10;
	vm0 =	vgt.f32 v13, v10;
	vm2 =	vgt.f32 v19, v10  }
0x32: {  	vm3 =	veq.f32 v12, v10;
	vm5 =	vgt.f32 v21, v10;
	vm14 =	vgt.f32 v14, v10  }
0x33: {  	vm7 =	veq.f32 v19, v10;
	vm8 =	vgt.f32 v20, v10;
	vm9 =	vgt.f32 v22, v10  }
0x34: {  	vm10 =	veq.f32 v14, v10;
	vm11 =	veq.f32 v20, v10;
	vm12 =	veq.f32 v22, v10  }
0x35: {  	vm13 =	veq.f32 v21, v10;
	v23 =	vsel vm0, $0xFFFFFFFF, v23;
	vm0 =	veq.f32 v13, v10;
	v10 =	vld [tilespmem:$0x1FFB0]  }
0x36: {  	v8 =	vld [tilespmem:s11+$0xFFFFFFD0]  }
0x37: {  	v9 =	vld [tilespmem:s11+$0xFFFFFFE0]  }
0x38: {  	v11 =	vld [tilespmem:s11+$0xFFFFFFF0];
	_ =	sdelay $0x1  }
0x39: {  	vm6 =	vnez.u8 v10;
	v10 =	vld [tilespmem:$0x1FFC0]  }
0x3a: {  	v18 =	vand.u32 $0x7FFFFFFF, v8  }
0x3b: {  	v17 =	vand.u32 $0x7FFFFFFF, v9;
	v25 =	vperm.xlane v18, v0;
	v26 =	vperm.xlane v18, v2  }
0x3c: {  	v16 =	vand.u32 $0x7FFFFFFF, v11;
	v27 =	vperm.xlane v17, v0;
	v28 =	vperm.xlane v17, v2  }
0x3d: {  	v29 =	vperm.xlane v16, v0;
	v30 =	vperm.xlane v16, v2  }
0x3e: {  	v63 =	vperm.xlane v18, v3;
	vm7 =	vmand vm7, vm6;
	vm6 =	vnez.u8 v10;
	v10 =	vld [tilespmem:$0x1FFD0]  }
0x3f: {  	v37 =	vperm.xlane v17, v3;
	v38 =	vperm.xlane v16, v3  }
0x40: {  	v44 =	vperm.xlane v18, v4;
	v45 =	vperm.xlane v17, v4  }
0x41: {  	v46 =	vperm.xlane v16, v4;
	v51 =	vperm.xlane v18, v5  }
0x42: {  	v52 =	vperm.xlane v17, v5;
	v53 =	vperm.xlane v16, v5;
	v12 =	vld [tilespmem:$0x1FF90]  }
0x43: {  	v58 =	vperm.xlane v18, v6;
	[tilespmem:$0x1FF00] =	vst v23;
	vm3 =	vmand vm3, vm6;
	vm6 =	vnez.u8 v10;
	v10 =	vld [tilespmem:$0x1FFA0]  }
0x44: {  	v59 =	vperm.xlane v17, v6;
	v60 =	vperm.xlane v16, v6;
	vm11 =	vmand vm11, vm15;
	v14 =	vld [tilespmem:s11+$0xFFFFFFC0]  }
0x45: {  	vm12 =	vmand vm12, vm4;
	vm15 =	vmmov vm4;
	vm8 =	vmor vm8, vm11  }
0x46: {  	vm9 =	vmor vm9, vm12;
	vm11 =	veq.f32 v30, v16;
	v13 =	vsel vm8, $0x1, v1  }
0x47: {  	v19 =	vsel vm9, $0x1, v1;
	vm9 =	veq.f32 v26, v18;
	vm8 =	veq.f32 v28, v17  }
0x48: {  	v19 =	vadd.s32 v13, v19;
	vm0 =	vmand vm0, vm6;
	vm6 =	vnez.u8 v10  }
0x49: {  	v22 =	vand.u32 $0x7FFFFFFF, v14;
	vm10 =	vmand vm10, vm6;
	vm6 =	vnez.u8 v12  }
0x4a: {  	v21 =	vld [tilespmem:$0x1FF00];
	vm2 =	vmor vm2, vm7;
	v24 =	vperm.xlane v22, v0;
	vm4 =	vmand vm13, vm6  }
0x4b: {  	v62 =	vperm.xlane v22, v3;
	v43 =	vperm.xlane v22, v4;
	v10 =	vld [tilespmem:s11+$0x0];
	vm5 =	vmor vm5, vm4  }
0x4c: {  	v50 =	vperm.xlane v22, v5;
	v12 =	vld [tilespmem:s11+$0x10];
	vm12 =	vmor vm14, vm10;
	v20 =	vsel vm5, $0x1, v1  }
0x4d: {  	v57 =	vperm.xlane v22, v6;
	v19 =	vadd.s32 v20, v19;
	v20 =	vsel vm12, $0x1, v1  }
0x4e: {  	vm1 =	vmor vm1, vm3;
	v19 =	vadd.s32 v20, v19;
	v20 =	vsel vm2, $0x1, v1  }
0x4f: {  	vm13 =	vnez.u8 v21;
	v19 =	vadd.s32 v20, v19;
	v20 =	vsel vm1, $0x1, v1  }
0x50: {  	vm0 =	vmor vm13, vm0;
	v21 =	vadd.s32 v20, v19;
	v20 =	vand.u32 $0x7FFFFFFF, v10  }
0x51: {  	v13 =	vld [tilespmem:s11+$0x20];
	v23 =	vsel vm0, $0x1, v1;
	v19 =	vand.u32 $0x7FFFFFFF, v12;
	v31 =	vperm.xlane v20, v0  }
0x52: {  	v23 =	vadd.s32 v23, v21;
	v32 =	vperm.xlane v20, v2;
	v33 =	vperm.xlane v19, v0  }
0x53: {  	v34 =	vperm.xlane v19, v2;
	v39 =	vperm.xlane v20, v3;
	vm14 =	vlt.u32 v23, $0x4  }
0x54: {  	v40 =	vperm.xlane v19, v3;
	v47 =	vperm.xlane v20, v4;
	v15 =	vnsel vm14, $0x0, v15  }
0x55: {  	vm7 =	veq.f32 v27, v17;
	v48 =	vperm.xlane v19, v4;
	v54 =	vperm.xlane v20, v5;
	[tilespmem:$0x1FF80] =	vst v15;
	v15 =	vld [tilespmem:$0x1FFE0]  }
0x56: {  	v21 =	vand.u32 $0x7FFFFFFF, v13;
	v55 =	vperm.xlane v19, v5;
	v61 =	vperm.xlane v20, v6  }
0x57: {  	vm10 =	veq.f32 v29, v16;
	v23 =	vperm.xlane v22, v2;
	v35 =	vperm.xlane v21, v0  }
0x58: {  	vm5 =	veq.f32 v25, v18;
	v36 =	vperm.xlane v21, v2;
	v41 =	vperm.xlane v21, v3  }
0x59: {  	vm2 =	veq.f32 v24, v22;
	v49 =	vperm.xlane v21, v4;
	v56 =	vperm.xlane v21, v5  }
0x5a: {  	vm4 =	veq.f32 v34, v19;
	vm0 =	vnez.u8 v15;
	v15 =	vimm.s32 $0x0  }
0x5b: {  	vm13 =	veq.f32 v31, v20;
	vm14 =	veq.f32 v32, v20;
	v15 =	vsel vm4, $0xFFFFFFFF, v15  }
0x5c: {  	vm12 =	veq.f32 v33, v19;
	vm4 =	veq.f32 v35, v21;
	[tilespmem:$0x1FF10] =	vst v15;
	v15 =	vimm.s32 $0x0  }
0x5d: {  	vm3 =	veq.f32 v23, v22;
	vm14 =	vmand vm14, vm15;
	v15 =	vsel vm4, $0xFFFFFFFF, v15  }
0x5e: {  	vm3 =	vmand vm3, vm15;
	vm4 =	veq.f32 v36, v21;
	[tilespmem:$0x1FF20] =	vst v15;
	v15 =	vimm.s32 $0x0  }
0x5f: {  	vm2 =	vmand vm2, vm0;
	v15 =	vsel vm4, $0xFFFFFFFF, v15;
	vm4 =	vgt.f32 v24, v22  }
0x60: {  	vm1 =	vmand vm5, vm0;
	vm4 =	vmor vm4, vm2;
	vm2 =	vgt.f32 v23, v22  }
0x61: {  	vm13 =	vmand vm13, vm0;
	vm5 =	vmor vm2, vm3;
	vm2 =	vgt.f32 v25, v18  }
0x62: {  	[tilespmem:$0x1FF30] =	vst v15;
	v15 =	vimm.s32 $0x0;
	vm3 =	vmand vm9, vm15;
	vm1 =	vmor vm2, vm1  }
0x63: {  	vm9 =	vgt.f32 v26, v18;
	vm2 =	vgt.f32 v28, v17;
	v15 =	vsel vm1, $0xFFFFFFFF, v15  }
0x64: {  	vm1 =	vmand vm7, vm0;
	vm7 =	vmor vm9, vm3;
	vm9 =	vgt.f32 v27, v17;
	[tilespmem:$0x1FF40] =	vst v15;
	v15 =	vld [tilespmem:$0x1FF10]  }
0x65: {  	vm3 =	vmand vm8, vm15;
	vm8 =	vmor vm9, vm1;
	vm9 =	vmand vm10, vm0  }
0x66: {  	vm2 =	vmor vm2, vm3;
	vm3 =	vgt.f32 v29, v16;
	vm10 =	vmand vm11, vm15  }
0x67: {  	vm1 =	vgt.f32 v30, v16;
	vm11 =	vgt.f32 v32, v20;
	v26 =	vsel vm7, $0x1, v1  }
0x68: {  	vm3 =	vmor vm3, vm9;
	vm9 =	vmor vm1, vm10;
	vm1 =	vgt.f32 v31, v20  }
0x69: {  	vm10 =	vmor vm1, vm13;
	vm1 =	vmand vm12, vm0;
	vm12 =	vnez.u8 v15;
	v15 =	vld [tilespmem:$0x1FF20]  }
0x6a: {  	vm11 =	vmor vm11, vm14;
	vm14 =	vgt.f32 v34, v19;
	v27 =	vsel vm8, $0x1, v1  }
0x6b: {  	v28 =	vsel vm2, $0x1, v1;
	vm13 =	vgt.f32 v33, v19;
	v29 =	vsel vm3, $0x1, v1  }
0x6c: {  	vm3 =	veq.f32 v63, v18;
	v30 =	vsel vm9, $0x1, v1;
	v32 =	vsel vm11, $0x1, v1  }
0x6d: {  	vm9 =	veq.f32 v39, v20;
	vm11 =	vgt.f32 v41, v21;
	vm13 =	vmor vm13, vm1  }
0x6e: {  	v31 =	vsel vm10, $0x1, v1;
	vm3 =	vmand vm3, vm6;
	vm1 =	vnez.u8 v15;
	v15 =	vld [tilespmem:$0x1FF30]  }
0x6f: {  	vm9 =	vmand vm9, vm6;
	v33 =	vsel vm13, $0x1, v1;
	vm13 =	veq.f32 v40, v19  }
0x70: {  	vm10 =	vgt.f32 v40, v19;
	vm7 =	vmand vm13, vm6;
	vm12 =	vmand vm12, vm15  }
0x71: {  	vm13 =	vgt.f32 v37, v17;
	vm12 =	vmor vm14, vm12;
	vm14 =	vgt.f32 v35, v21  }
0x72: {  	v34 =	vsel vm12, $0x1, v1;
	vm12 =	vgt.f32 v63, v18;
	v63 =	vperm.xlane v21, v6  }
0x73: {  	v34 =	vadd.s32 v33, v34;
	vm1 =	vmand vm1, vm0;
	vm0 =	vnez.u8 v15  }
0x74: {  	v15 =	vsel vm4, $0x1, v1;
	vm4 =	veq.f32 v37, v17;
	vm15 =	vmand vm0, vm15  }
0x75: {  	vm0 =	vmor vm14, vm1;
	vm14 =	vgt.f32 v36, v21;
	[tilespmem:$0x1FF50] =	vst v15;
	v15 =	vsel vm5, $0x1, v1  }
0x76: {  	vm5 =	veq.f32 v38, v16;
	vm4 =	vmand vm4, vm6;
	vm1 =	vmor vm14, vm15;
	[tilespmem:$0x1FF60] =	vst v15;
	v15 =	vld [tilespmem:$0x1FF40]  }
0x77: {  	vm15 =	veq.f32 v62, v22;
	vm5 =	vmand vm5, vm6;
	v35 =	vsel vm0, $0x1, v1  }
0x78: {  	vm0 =	vmor vm12, vm3;
	vm12 =	veq.f32 v47, v20;
	vm2 =	vmand vm15, vm6  }
0x79: {  	vm15 =	veq.f32 v41, v21;
	v36 =	vsel vm1, $0x1, v1;
	vm1 =	vmor vm13, vm4  }
0x7a: {  	vm13 =	veq.f32 v48, v19;
	vm8 =	vmand vm15, vm6;
	vm15 =	vgt.f32 v39, v20  }
0x7b: {  	v39 =	vsel vm1, $0x1, v1;
	v36 =	vadd.s32 v35, v36;
	vm14 =	vnez.u8 v15  }
0x7c: {  	vm4 =	vmor vm15, vm9;
	vm6 =	vmor vm11, vm8;
	v15 =	vsel vm14, $0x1, v1  }
0x7d: {  	vm8 =	veq.f32 v44, v18;
	vm11 =	vgt.f32 v43, v22;
	vm14 =	vgt.f32 v62, v22;
	[tilespmem:$0x1FF70] =	vst v15;
	v15 =	vld [tilespmem:$0x1FFA0]  }
0x7e: {  	v41 =	vsel vm4, $0x1, v1;
	v62 =	vperm.xlane v19, v6;
	vm2 =	vmor vm14, vm2  }
0x7f: {  	vm14 =	vgt.f32 v38, v16;
	v38 =	vsel vm0, $0x1, v1;
	vm0 =	veq.f32 v46, v16  }
0x80: {  	vm3 =	vmor vm14, vm5;
	vm5 =	vmor vm10, vm7;
	vm7 =	veq.f32 v43, v22  }
0x81: {  	v37 =	vsel vm2, $0x1, v1;
	vm2 =	veq.f32 v45, v17;
	vm14 =	veq.f32 v49, v21  }
0x82: {  	v43 =	vsel vm6, $0x1, v1;
	v40 =	vsel vm3, $0x1, v1;
	vm15 =	vnez.u8 v15  }
0x83: {  	v42 =	vsel vm5, $0x1, v1;
	vm7 =	vmand vm7, vm15;
	vm8 =	vmand vm8, vm15  }
0x84: {  	vm2 =	vmand vm2, vm15;
	vm0 =	vmand vm0, vm15;
	vm1 =	vmand vm12, vm15  }
0x85: {  	vm3 =	vmand vm13, vm15;
	vm4 =	vmand vm14, vm15;
	vm12 =	vgt.f32 v44, v18  }
0x86: {  	vm13 =	vgt.f32 v45, v17;
	vm14 =	vgt.f32 v46, v16;
	vm15 =	vgt.f32 v47, v20  }
0x87: {  	vm5 =	vmor vm11, vm7;
	vm6 =	vmor vm12, vm8;
	vm2 =	vmor vm13, vm2  }
0x88: {  	vm0 =	vmor vm14, vm0;
	vm12 =	vgt.f32 v48, v19;
	vm1 =	vmor vm15, vm1  }
0x89: {  	vm13 =	vgt.f32 v49, v21;
	vm14 =	veq.f32 v50, v22;
	vm15 =	veq.f32 v51, v18  }
0x8a: {  	v15 =	vld [tilespmem:$0x1FFB0];
	v49 =	vperm.xlane v22, v7;
	vm3 =	vmor vm12, vm3;
	vm4 =	vmor vm13, vm4  }
0x8b: {  	v44 =	vsel vm5, $0x1, v1;
	vm5 =	veq.f32 v52, v17;
	v45 =	vsel vm6, $0x1, v1  }
0x8c: {  	vm6 =	veq.f32 v53, v16;
	v46 =	vsel vm2, $0x1, v1;
	vm2 =	veq.f32 v54, v20  }
0x8d: {  	v47 =	vsel vm0, $0x1, v1;
	vm0 =	veq.f32 v55, v19;
	v48 =	vsel vm1, $0x1, v1  }
0x8e: {  	vm1 =	veq.f32 v56, v21;
	vm12 =	vgt.f32 v50, v22;
	vm13 =	vgt.f32 v51, v18  }
0x8f: {  	v51 =	vperm.xlane v18, v7;
	v25 =	vsel vm3, $0x1, v1;
	vm9 =	vnez.u8 v15  }
0x90: {  	v50 =	vsel vm4, $0x1, v1;
	vm8 =	vmand vm14, vm9;
	vm14 =	vgt.f32 v52, v17  }
0x91: {  	v52 =	vperm.xlane v17, v7;
	vm7 =	vmand vm15, vm9;
	vm15 =	vgt.f32 v53, v16  }
0x92: {  	v53 =	vperm.xlane v16, v7;
	vm5 =	vmand vm5, vm9;
	vm6 =	vmand vm6, vm9  }
0x93: {  	vm2 =	vmand vm2, vm9;
	vm0 =	vmand vm0, vm9;
	vm1 =	vmand vm1, vm9  }
0x94: {  	vm3 =	vmor vm12, vm8;
	vm4 =	vmor vm13, vm7;
	vm5 =	vmor vm14, vm5  }
0x95: {  	vm12 =	vgt.f32 v54, v20;
	vm6 =	vmor vm15, vm6;
	vm13 =	vgt.f32 v55, v19  }
0x96: {  	vm14 =	vgt.f32 v56, v21;
	vm7 =	veq.f32 v57, v22;
	vm8 =	veq.f32 v58, v18  }
0x97: {  	v15 =	vld [tilespmem:$0x1FFC0];
	vm15 =	vgt.f32 v57, v22;
	vm2 =	vmor vm12, vm2;
	vm0 =	vmor vm13, vm0  }
0x98: {  	vm1 =	vmor vm14, vm1;
	v54 =	vsel vm3, $0x1, v1;
	vm3 =	veq.f32 v59, v17  }
0x99: {  	v55 =	vsel vm4, $0x1, v1;
	vm4 =	veq.f32 v60, v16;
	v56 =	vsel vm5, $0x1, v1  }
0x9a: {  	v57 =	vsel vm6, $0x1, v1;
	vm12 =	vgt.f32 v58, v18;
	vm13 =	vgt.f32 v59, v17  }
0x9b: {  	vm14 =	veq.f32 v61, v20;
	v58 =	vsel vm2, $0x1, v1;
	v59 =	vsel vm0, $0x1, v1  }
0x9c: {  	vm0 =	vgt.f32 v60, v16;
	v60 =	vsel vm1, $0x1, v1;
	vm9 =	vnez.u8 v15  }
0x9d: {  	vm7 =	vmand vm7, vm9;
	vm8 =	vmand vm8, vm9;
	vm3 =	vmand vm3, vm9  }
0x9e: {  	vm4 =	vmand vm4, vm9;
	vm1 =	vmand vm14, vm9;
	vm14 =	veq.f32 v63, v21  }
0x9f: {  	vm5 =	vmor vm15, vm7;
	vm15 =	vgt.f32 v61, v20;
	v61 =	vperm.xlane v20, v7  }
0xa0: {  	vm6 =	vmor vm12, vm8;
	vm12 =	veq.f32 v62, v19;
	vm2 =	vmor vm13, vm3  }
0xa1: {  	vm13 =	vgt.f32 v62, v19;
	v62 =	vperm.xlane v19, v7;
	vm0 =	vmor vm0, vm4  }
0xa2: {  	v15 =	vld [tilespmem:$0x1FFD0];
	vm4 =	vmand vm14, vm9;
	vm14 =	veq.f32 v51, v18;
	vm1 =	vmor vm15, vm1  }
0xa3: {  	vm15 =	vgt.f32 v63, v21;
	v63 =	vperm.xlane v21, v7;
	vm8 =	vmand vm12, vm9  }
0xa4: {  	vm12 =	veq.f32 v49, v22;
	v24 =	vsel vm5, $0x1, v1;
	v23 =	vsel vm0, $0x1, v1  }
0xa5: {  	vm0 =	vgt.f32 v52, v17;
	vm3 =	vmor vm13, vm8;
	vm4 =	vmor vm15, vm4  }
0xa6: {  	vm13 =	vgt.f32 v49, v22;
	vm15 =	vgt.f32 v51, v18;
	v51 =	vsel vm2, $0x1, v1  }
0xa7: {  	vm2 =	veq.f32 v52, v17;
	v52 =	vsel vm1, $0x1, v1;
	vm9 =	vnez.u8 v15  }
0xa8: {  	vm1 =	veq.f32 v53, v16;
	vm8 =	vmand vm12, vm9;
	vm12 =	veq.f32 v61, v20  }
0xa9: {  	vm5 =	vmand vm14, vm9;
	vm1 =	vmand vm1, vm9;
	vm7 =	vmor vm13, vm8  }
0xaa: {  	vm13 =	vgt.f32 v53, v16;
	vm8 =	vmand vm12, vm9;
	vm12 =	vgt.f32 v61, v20;
	v20 =	vld [tilespmem:$0x1FF60]  }
0xab: {  	vm14 =	veq.f32 v62, v19;
	vm1 =	vmor vm13, vm1;
	vm13 =	vgt.f32 v62, v19;
	v19 =	vld [tilespmem:$0x1FF50]  }
0xac: {  	v49 =	vsel vm6, $0x1, v1;
	v22 =	vsel vm3, $0x1, v1;
	vm2 =	vmand vm2, vm9  }
0xad: {  	v53 =	vsel vm4, $0x1, v1;
	vm5 =	vmor vm15, vm5;
	vm15 =	veq.f32 v63, v21  }
0xae: {  	vm4 =	vmand vm14, vm9;
	vm0 =	vmor vm0, vm2;
	vm14 =	vgt.f32 v63, v21  }
0xaf: {  	v21 =	vadd.s32 v27, v28;
	v27 =	vadd.s32 v31, v32;
	v28 =	vadd.s32 v42, v34  }
0xb0: {  	vm6 =	vmand vm15, vm9;
	vm2 =	vmor vm12, vm8;
	v19 =	vadd.s32 v19, v20;
	v20 =	vld [tilespmem:$0x1FF70]  }
0xb1: {  	v61 =	vsel vm7, $0x1, v1;
	v62 =	vsel vm5, $0x1, v1;
	v63 =	vsel vm0, $0x1, v1  }
0xb2: {  	v21 =	vadd.s32 v39, v21;
	v27 =	vadd.s32 v41, v27;
	v25 =	vadd.s32 v25, v28  }
0xb3: {  	vm3 =	vmor vm13, vm4;
	vm15 =	vmor vm14, vm6;
	v15 =	vsel vm1, $0x1, v1  }
0xb4: {  	v18 =	vsel vm2, $0x1, v1;
	v21 =	vadd.s32 v46, v21;
	v27 =	vadd.s32 v48, v27  }
0xb5: {  	v25 =	vadd.s32 v59, v25;
	v20 =	vadd.s32 v20, v26;
	v26 =	vadd.s32 v29, v30  }
0xb6: {  	v17 =	vsel vm3, $0x1, v1;
	v19 =	vadd.s32 v37, v19;
	v26 =	vadd.s32 v40, v26  }
0xb7: {  	v16 =	vsel vm15, $0x1, v1;
	v19 =	vadd.s32 v44, v19;
	v26 =	vadd.s32 v47, v26  }
0xb8: {  	v21 =	vadd.s32 v56, v21;
	v19 =	vadd.s32 v54, v19;
	v26 =	vadd.s32 v57, v26  }
0xb9: {  	v27 =	vadd.s32 v58, v27;
	v24 =	vadd.s32 v24, v19;
	v26 =	vadd.s32 v23, v26;
	v23 =	vld [tilespmem:$0x1FF80]  }
0xba: {  	v19 =	vadd.s32 v22, v25;
	v29 =	vadd.s32 v43, v36;
	v20 =	vadd.s32 v38, v20  }
0xbb: {  	v22 =	vadd.s32 v61, v24;
	v50 =	vadd.s32 v50, v29;
	v20 =	vadd.s32 v45, v20  }
0xbc: {  	v28 =	vadd.s32 v60, v50;
	v60 =	vadd.s32 v51, v21;
	v20 =	vadd.s32 v55, v20  }
0xbd: {  	v21 =	vadd.s32 v52, v27;
	v59 =	vadd.s32 v49, v20;
	v20 =	vadd.s32 v53, v28  }
0xbe: {  	s12 =	simm.s32 $0x0;
	s13 =	simm.s32 $0xC0;
	v24 =	vadd.s32 v62, v59;
	v15 =	vadd.s32 v15, v26;
	[tilespmem:s11+$0x30] =	vst v23;
	v23 =	vadd.s32 v63, v60  }
.LBB2_3:
0xbf: {  	v25 =	vld [tilespmem:s13+$0x30]  }
0xc0: {  	v18 =	vadd.s32 v18, v21  }
0xc1: {  	vm4 =	vlt.u32 v18, $0x4;
	v18 =	vld [tilespmem:s13+$0xFFFFFFF0]  }
0xc2: {  	vm3 =	vlt.u32 v15, $0x4  }
0xc3: {  	v11 =	vnsel vm3, $0x0, v11  }
0xc4: {  	v17 =	vadd.s32 v17, v19;
	vm0 =	vlt.u32 v22, $0x4;
	v22 =	vand.u32 $0x7FFFFFFF, v25  }
0xc5: {  	vm5 =	vlt.u32 v17, $0x4;
	v26 =	vperm.xlane v22, v6  }
0xc6: {  	v21 =	vnsel vm4, $0x0, v10;
	[tilespmem:s11+$0xFFFFFFF0] =	vst v11;
	v17 =	vand.u32 $0x7FFFFFFF, v18;
	v11 =	vmovc v18;
	v18 =	vperm.xlane v22, v2  }
0xc7: {  	v10 =	vld [tilespmem:s13+$0x0];
	[tilespmem:s11+$0x0] =	vst v21;
	v21 =	vimm.s32 $0x0;
	vm12 =	vgt.f32 v26, v22  }
0xc8: {  	vm9 =	vgt.f32 v18, v22;
	v21 =	vsel vm12, $0xFFFFFFFF, v21;
	vm12 =	veq.f32 v18, v22;
	v18 =	vld [tilespmem:$0x1FFB0];
	_ =	sdelay $0x4  }
0xc9: {  	vm14 =	vnez.u8 v18;
	v18 =	vld [tilespmem:$0x1FFC0];
	_ =	sdelay $0x4  }
0xca: {  	vm15 =	vnez.u8 v18;
	v18 =	vld [tilespmem:$0x1FFD0];
	_ =	sdelay $0x4  }
0xcb: {  	vm6 =	vnez.u8 v18;
	v18 =	vld [tilespmem:$0x1FFE0];
	_ =	sdelay $0x3  }
0xcc: {  	vm3 =	veq.f32 v26, v22  }
0xcd: {  	vm15 =	vmand vm3, vm15;
	vm3 =	vnez.u8 v18;
	v18 =	vld [tilespmem:$0x1FFF0]  }
0xce: {  	v16 =	vadd.s32 v16, v20;
	vm1 =	vlt.u32 v24, $0x4  }
0xcf: {  	vm2 =	vlt.u32 v23, $0x4;
	v20 =	vld [tilespmem:s13+$0xFFFFFFE0];
	v53 =	vimm.s32 $0x0;
	v27 =	vperm.xlane v22, v7  }
0xd0: {  	v19 =	vld [tilespmem:s13+$0xFFFFFFD0];
	v36 =	vimm.s32 $0x0;
	v55 =	vimm.s32 $0x0;
	v57 =	vimm.s32 $0x0  }
0xd1: {  	v14 =	vnsel vm0, $0x0, v14;
	v9 =	vnsel vm2, $0x0, v9;
	vm4 =	veq.f32 v27, v22  }
0xd2: {  	v8 =	vnsel vm1, $0x0, v8;
	vm0 =	vmand vm4, vm6;
	vm4 =	vnez.u8 v18;
	v18 =	vld [tilespmem:$0x1FFA0]  }
0xd3: {  	v50 =	vimm.s32 $0x0;
	v58 =	vimm.s32 $0x0;
	vm11 =	vlt.u32 v16, $0x4;
	[tilespmem:s11+$0xFFFFFFD0] =	vst v8  }
0xd4: {  	[tilespmem:s11+$0xFFFFFFE0] =	vst v9;
	v16 =	vand.u32 $0x7FFFFFFF, v20;
	v9 =	vmovc v20;
	v28 =	vperm.xlane v22, v5;
	v20 =	vperm.xlane v22, v0  }
0xd5: {  	v24 =	vnsel vm11, $0x0, v13;
	v15 =	vand.u32 $0x7FFFFFFF, v19;
	v8 =	vmovc v19;
	v19 =	vperm.xlane v22, v4;
	[tilespmem:$0x1F970] =	vst v21  }
0xd6: {  	vm7 =	veq.f32 v28, v22;
	vm8 =	vgt.f32 v20, v22;
	vm11 =	veq.f32 v20, v22;
	v20 =	vld [tilespmem:$0x1F970]  }
0xd7: {  	v29 =	vperm.xlane v22, v3;
	vm7 =	vmand vm7, vm14;
	vm14 =	vnez.u8 v18;
	v18 =	vld [tilespmem:$0x1FF90]  }
0xd8: {  	v23 =	vnsel vm5, $0x0, v12;
	vm13 =	vgt.f32 v27, v22;
	vm2 =	vgt.f32 v28, v22  }
0xd9: {  	vm5 =	vgt.f32 v29, v22;
	vm1 =	vgt.f32 v19, v22;
	v21 =	vimm.s32 $0x0  }
0xda: {  	vm10 =	veq.f32 v19, v22;
	v21 =	vsel vm13, $0xFFFFFFFF, v21;
	vm11 =	vmand vm11, vm3  }
0xdb: {  	vm13 =	veq.f32 v29, v22;
	[tilespmem:$0x1F980] =	vst v21;
	vm8 =	vmor vm8, vm11;
	vm12 =	vmand vm12, vm4  }
0xdc: {  	vm6 =	vnez.u8 v18;
	v18 =	vsel vm8, $0x1, v1;
	vm8 =	vnez.u8 v20;
	v20 =	vld [tilespmem:$0x1F980]  }
0xdd: {  	vm2 =	vmor vm2, vm7;
	vm9 =	vmor vm9, vm12;
	vm13 =	vmand vm13, vm6  }
0xde: {  	[tilespmem:s11+$0xFFFFFFC0] =	vst v14;
	v19 =	vsel vm9, $0x1, v1;
	vm10 =	vmand vm10, vm14;
	vm5 =	vmor vm5, vm13  }
0xdf: {  	v14 =	vld [tilespmem:s13+$0xFFFFFFC0];
	vm1 =	vmor vm1, vm10;
	v18 =	vadd.s32 v18, v19;
	v19 =	vsel vm5, $0x1, v1  }
0xe0: {  	v18 =	vadd.s32 v19, v18;
	v19 =	vsel vm1, $0x1, v1;
	vm1 =	vmor vm8, vm15  }
0xe1: {  	v18 =	vadd.s32 v19, v18;
	v19 =	vsel vm2, $0x1, v1;
	vm9 =	vnez.u8 v20  }
0xe2: {  	v18 =	vadd.s32 v19, v18;
	v19 =	vsel vm1, $0x1, v1;
	vm0 =	vmor vm9, vm0  }
0xe3: {  	v59 =	vimm.s32 $0x0;
	v20 =	vadd.s32 v19, v18;
	v22 =	vsel vm0, $0x1, v1  }
0xe4: {  	v13 =	vld [tilespmem:s13+$0x20];
	[tilespmem:s11+$0x20] =	vst v24;
	v24 =	vperm.xlane v15, v0;
	v21 =	vand.u32 $0x7FFFFFFF, v14;
	v22 =	vadd.s32 v22, v20  }
0xe5: {  	v60 =	vimm.s32 $0x0;
	vm10 =	vlt.u32 v22, $0x4;
	v22 =	vperm.xlane v21, v2  }
0xe6: {  	v61 =	vimm.s32 $0x0;
	v12 =	vld [tilespmem:s13+$0x10];
	[tilespmem:s11+$0x10] =	vst v23;
	vm12 =	veq.f32 v24, v15;
	v25 =	vnsel vm10, $0x0, v25  }
0xe7: {  	v29 =	vsel vm12, $0xFFFFFFFF, v53;
	[tilespmem:s13+$0x30] =	vst v25;
	vm11 =	veq.f32 v22, v21;
	v25 =	vimm.s32 $0x0  }
0xe8: {  	v62 =	vimm.s32 $0x0;
	v23 =	vperm.xlane v21, v0;
	[tilespmem:$0x1F9A0] =	vst v29;
	v25 =	vsel vm11, $0xFFFFFFFF, v25  }
0xe9: {  	v63 =	vimm.s32 $0x0;
	v26 =	vperm.xlane v15, v2;
	v29 =	vperm.xlane v17, v2;
	[tilespmem:$0x1F990] =	vst v25  }
0xea: {  	v27 =	vperm.xlane v16, v0;
	v28 =	vperm.xlane v17, v0;
	vm13 =	veq.f32 v23, v21;
	v54 =	vld [tilespmem:$0x1F990]  }
0xeb: {  	v35 =	vperm.xlane v21, v3;
	vm7 =	veq.f32 v29, v17;
	vm13 =	vmand vm13, vm3  }
0xec: {  	v56 =	vld [tilespmem:$0x1F9A0];
	vm15 =	veq.f32 v26, v15;
	v36 =	vsel vm13, $0xFFFFFFFF, v36;
	vm2 =	veq.f32 v27, v16  }
0xed: {  	vm1 =	veq.f32 v28, v17;
	vm2 =	vmand vm2, vm3;
	v18 =	vand.u32 $0x7FFFFFFF, v10  }
0xee: {  	v19 =	vand.u32 $0x7FFFFFFF, v12;
	vm1 =	vmand vm1, vm3;
	v20 =	vand.u32 $0x7FFFFFFF, v13  }
0xef: {  	v30 =	vperm.xlane v18, v0;
	v31 =	vperm.xlane v18, v2;
	vm13 =	vnez.u8 v54  }
0xf0: {  	v32 =	vperm.xlane v19, v0;
	v33 =	vperm.xlane v19, v2;
	vm13 =	vmand vm13, vm4  }
0xf1: {  	[tilespmem:$0x1F9B0] =	vst v36;
	v34 =	vperm.xlane v20, v0;
	v36 =	vsel vm13, $0xFFFFFFFF, v55;
	vm13 =	vnez.u8 v56  }
0xf2: {  	vm8 =	veq.f32 v30, v18;
	v25 =	vperm.xlane v16, v2;
	vm13 =	vmand vm13, vm3  }
0xf3: {  	vm9 =	veq.f32 v31, v18;
	[tilespmem:$0x1F9C0] =	vst v36;
	v36 =	vsel vm13, $0xFFFFFFFF, v57;
	vm13 =	vmand vm15, vm4  }
0xf4: {  	vm10 =	veq.f32 v32, v19;
	vm5 =	veq.f32 v25, v16;
	v50 =	vsel vm13, $0xFFFFFFFF, v50  }
0xf5: {  	vm12 =	veq.f32 v34, v20;
	vm15 =	vmand vm5, vm4;
	[tilespmem:$0x1F9E0] =	vst v50;
	v50 =	vsel vm2, $0xFFFFFFFF, v58  }
0xf6: {  	vm11 =	veq.f32 v33, v19;
	vm5 =	vmand vm7, vm4;
	[tilespmem:$0x1FA00] =	vst v50;
	v50 =	vsel vm15, $0xFFFFFFFF, v59  }
0xf7: {  	vm7 =	vmand vm8, vm3;
	vm8 =	vmand vm9, vm4;
	[tilespmem:$0x1FA10] =	vst v50;
	v50 =	vsel vm1, $0xFFFFFFFF, v60  }
0xf8: {  	vm9 =	vmand vm10, vm3;
	vm10 =	vmand vm11, vm4;
	[tilespmem:$0x1FA20] =	vst v50;
	v50 =	vsel vm5, $0xFFFFFFFF, v61  }
0xf9: {  	vm11 =	vmand vm12, vm3;
	vm12 =	veq.f32 v35, v21;
	[tilespmem:$0x1FA30] =	vst v50;
	v50 =	vsel vm7, $0xFFFFFFFF, v62  }
0xfa: {  	[tilespmem:$0x1FA40] =	vst v50;
	v50 =	vsel vm8, $0xFFFFFFFF, v63;
	vm8 =	vgt.f32 v22, v21;
	v22 =	vimm.s32 $0x0  }
0xfb: {  	v22 =	vsel vm12, $0xFFFFFFFF, v22  }
0xfc: {  	v44 =	vperm.xlane v15, v3;
	vm13 =	vgt.f32 v26, v15;
	[tilespmem:$0x1FA80] =	vst v22;
	v22 =	vimm.s32 $0x0  }
0xfd: {  	v43 =	vperm.xlane v20, v2;
	v22 =	vsel vm13, $0xFFFFFFFF, v22  }
0xfe: {  	v45 =	vperm.xlane v16, v3;
	vm15 =	veq.f32 v44, v15;
	[tilespmem:$0x1F9F0] =	vst v22;
	v22 =	vimm.s32 $0x0  }
0xff: {  	v46 =	vperm.xlane v17, v3;
	vm0 =	veq.f32 v43, v20;
	v22 =	vsel vm15, $0xFFFFFFFF, v22  }
0x100: {  	vm0 =	vmand vm0, vm4;
	vm4 =	veq.f32 v45, v16;
	[tilespmem:$0x1FAB0] =	vst v22;
	v22 =	vimm.s32 $0x0  }
0x101: {  	v22 =	vsel vm4, $0xFFFFFFFF, v22  }
0x102: {  	v47 =	vperm.xlane v18, v3;
	vm7 =	veq.f32 v46, v17;
	[tilespmem:$0x1FAC0] =	vst v22;
	v22 =	vimm.s32 $0x0  }
0x103: {  	v22 =	vsel vm7, $0xFFFFFFFF, v22  }
0x104: {  	v48 =	vperm.xlane v19, v3;
	vm15 =	veq.f32 v47, v18;
	[tilespmem:$0x1FAD0] =	vst v22;
	v22 =	vimm.s32 $0x0  }
0x105: {  	v22 =	vsel vm15, $0xFFFFFFFF, v22  }
0x106: {  	v49 =	vperm.xlane v20, v3;
	vm15 =	veq.f32 v48, v19;
	[tilespmem:$0x1FAE0] =	vst v22;
	v22 =	vimm.s32 $0x0  }
0x107: {  	v22 =	vsel vm15, $0xFFFFFFFF, v22  }
0x108: {  	vm15 =	veq.f32 v49, v20;
	[tilespmem:$0x1FAF0] =	vst v22;
	v22 =	vimm.s32 $0x0  }
0x109: {  	v22 =	vsel vm15, $0xFFFFFFFF, v22  }
0x10a: {  	[tilespmem:$0x1FB00] =	vst v22;
	v22 =	vld [tilespmem:$0x1F9B0];
	_ =	sdelay $0x4  }
0x10b: {  	vm15 =	vnez.u8 v22;
	v22 =	vld [tilespmem:$0x1F9C0];
	_ =	sdelay $0x3  }
0x10c: {  	vm5 =	vgt.f32 v23, v21  }
0x10d: {  	v23 =	vimm.s32 $0x0;
	vm15 =	vmor vm5, vm15;
	vm5 =	vnez.u8 v22  }
0x10e: {  	[tilespmem:$0x1F9D0] =	vst v36;
	v23 =	vsel vm11, $0xFFFFFFFF, v23;
	v22 =	vimm.s32 $0x0;
	vm5 =	vmor vm8, vm5  }
0x10f: {  	[tilespmem:$0x1FA90] =	vst v23;
	v22 =	vsel vm5, $0xFFFFFFFF, v22  }
0x110: {  	v23 =	vimm.s32 $0x0;
	[tilespmem:$0x1FB10] =	vst v22;
	v22 =	vld [tilespmem:$0x1F9D0]  }
0x111: {  	v23 =	vsel vm0, $0xFFFFFFFF, v23  }
0x112: {  	[tilespmem:$0x1FAA0] =	vst v23;
	v23 =	vld [tilespmem:$0x1F9E0];
	_ =	sdelay $0x2  }
0x113: {  	vm12 =	vgt.f32 v24, v15;
	vm8 =	vnez.u8 v22  }
0x114: {  	v22 =	vimm.s32 $0x0;
	vm5 =	vmor vm12, vm8  }
0x115: {  	v22 =	vsel vm5, $0xFFFFFFFF, v22;
	vm5 =	vnez.u8 v23;
	v23 =	vld [tilespmem:$0x1F9F0];
	_ =	sdelay $0x4  }
0x116: {  	vm12 =	vnez.u8 v23  }
0x117: {  	v23 =	vimm.s32 $0x0;
	vm5 =	vmor vm12, vm5  }
0x118: {  	v23 =	vsel vm5, $0xFFFFFFFF, v23  }
0x119: {  	[tilespmem:$0x1FB30] =	vst v23;
	v23 =	vld [tilespmem:$0x1FA00];
	_ =	sdelay $0x4  }
0x11a: {  	vm13 =	vgt.f32 v27, v16;
	vm8 =	vnez.u8 v23  }
0x11b: {  	v23 =	vimm.s32 $0x0;
	vm5 =	vmor vm13, vm8  }
0x11c: {  	v23 =	vsel vm5, $0xFFFFFFFF, v23  }
0x11d: {  	[tilespmem:$0x1FB40] =	vst v23;
	v23 =	vld [tilespmem:$0x1FA10];
	_ =	sdelay $0x2  }
0x11e: {  	v52 =	vimm.s32 $0x0  }
0x11f: {  	v53 =	vimm.s32 $0x0;
	[tilespmem:$0x1FA50] =	vst v50;
	v50 =	vsel vm9, $0xFFFFFFFF, v52  }
0x120: {  	[tilespmem:$0x1FA60] =	vst v50;
	v50 =	vsel vm10, $0xFFFFFFFF, v53;
	vm10 =	vgt.f32 v25, v16;
	vm12 =	vnez.u8 v23  }
0x121: {  	v23 =	vimm.s32 $0x0;
	vm5 =	vmor vm10, vm12  }
0x122: {  	v23 =	vsel vm5, $0xFFFFFFFF, v23  }
0x123: {  	[tilespmem:$0x1FB50] =	vst v23;
	v23 =	vld [tilespmem:$0x1FA20];
	_ =	sdelay $0x4  }
0x124: {  	vm11 =	vgt.f32 v28, v17;
	vm13 =	vnez.u8 v23  }
0x125: {  	v23 =	vimm.s32 $0x0;
	vm5 =	vmor vm11, vm13  }
0x126: {  	v23 =	vsel vm5, $0xFFFFFFFF, v23  }
0x127: {  	[tilespmem:$0x1FB60] =	vst v23;
	v23 =	vld [tilespmem:$0x1FA30];
	_ =	sdelay $0x4  }
0x128: {  	vm9 =	vgt.f32 v29, v17;
	vm8 =	vnez.u8 v23  }
0x129: {  	v23 =	vimm.s32 $0x0;
	vm5 =	vmor vm9, vm8  }
0x12a: {  	v23 =	vsel vm5, $0xFFFFFFFF, v23  }
0x12b: {  	[tilespmem:$0x1FB70] =	vst v23;
	v23 =	vld [tilespmem:$0x1FA40];
	_ =	sdelay $0x4  }
0x12c: {  	vm4 =	vgt.f32 v30, v18;
	vm10 =	vnez.u8 v23  }
0x12d: {  	v23 =	vimm.s32 $0x0;
	vm4 =	vmor vm4, vm10  }
0x12e: {  	v23 =	vsel vm4, $0xFFFFFFFF, v23  }
0x12f: {  	[tilespmem:$0x1FB80] =	vst v23;
	v23 =	vld [tilespmem:$0x1FA50];
	_ =	sdelay $0x4  }
0x130: {  	vm7 =	vgt.f32 v31, v18;
	vm11 =	vnez.u8 v23  }
0x131: {  	v23 =	vimm.s32 $0x0;
	vm4 =	vmor vm7, vm11  }
0x132: {  	v23 =	vsel vm4, $0xFFFFFFFF, v23  }
0x133: {  	[tilespmem:$0x1FB90] =	vst v23;
	v23 =	vld [tilespmem:$0x1FA60];
	_ =	sdelay $0x4  }
0x134: {  	vm3 =	vgt.f32 v32, v19;
	vm12 =	vnez.u8 v23  }
0x135: {  	v23 =	vimm.s32 $0x0;
	vm3 =	vmor vm3, vm12  }
0x136: {  	[tilespmem:$0x1FA70] =	vst v50;
	v23 =	vsel vm3, $0xFFFFFFFF, v23  }
0x137: {  	[tilespmem:$0x1FBA0] =	vst v23;
	v23 =	vld [tilespmem:$0x1FA70];
	_ =	sdelay $0x4  }
0x138: {  	vm1 =	vgt.f32 v33, v19;
	vm13 =	vnez.u8 v23  }
0x139: {  	v23 =	vimm.s32 $0x0;
	vm1 =	vmor vm1, vm13  }
0x13a: {  	v23 =	vsel vm1, $0xFFFFFFFF, v23  }
0x13b: {  	[tilespmem:$0x1FBB0] =	vst v23;
	v23 =	vld [tilespmem:$0x1FA80];
	_ =	sdelay $0x4  }
0x13c: {  	vm4 =	vnez.u8 v23  }
0x13d: {  	v23 =	vimm.s32 $0x0;
	vm1 =	vmand vm4, vm6  }
0x13e: {  	v23 =	vsel vm1, $0xFFFFFFFF, v23  }
0x13f: {  	[tilespmem:$0x1FBC0] =	vst v23;
	v23 =	vld [tilespmem:$0x1FA90];
	_ =	sdelay $0x4  }
0x140: {  	vm2 =	vgt.f32 v34, v20;
	vm5 =	vnez.u8 v23  }
0x141: {  	v23 =	vimm.s32 $0x0;
	vm1 =	vmor vm2, vm5  }
0x142: {  	v23 =	vsel vm1, $0xFFFFFFFF, v23  }
0x143: {  	[tilespmem:$0x1FBD0] =	vst v23;
	v23 =	vld [tilespmem:$0x1FAA0];
	_ =	sdelay $0x4  }
0x144: {  	vm0 =	vgt.f32 v43, v20;
	vm7 =	vnez.u8 v23  }
0x145: {  	v23 =	vimm.s32 $0x0;
	vm0 =	vmor vm0, vm7  }
0x146: {  	v23 =	vsel vm0, $0xFFFFFFFF, v23  }
0x147: {  	[tilespmem:$0x1FBE0] =	vst v23;
	v23 =	vld [tilespmem:$0x1FAB0];
	_ =	sdelay $0x4  }
0x148: {  	vm8 =	vnez.u8 v23  }
0x149: {  	v23 =	vimm.s32 $0x0;
	vm0 =	vmand vm8, vm6  }
0x14a: {  	v23 =	vsel vm0, $0xFFFFFFFF, v23  }
0x14b: {  	[tilespmem:$0x1FBF0] =	vst v23;
	v23 =	vld [tilespmem:$0x1FAC0];
	_ =	sdelay $0x4  }
0x14c: {  	vm9 =	vnez.u8 v23  }
0x14d: {  	v23 =	vimm.s32 $0x0;
	vm0 =	vmand vm9, vm6  }
0x14e: {  	v23 =	vsel vm0, $0xFFFFFFFF, v23  }
0x14f: {  	[tilespmem:$0x1FC00] =	vst v23;
	v23 =	vld [tilespmem:$0x1FAD0];
	_ =	sdelay $0x4  }
0x150: {  	vm10 =	vnez.u8 v23  }
0x151: {  	v23 =	vimm.s32 $0x0;
	vm0 =	vmand vm10, vm6  }
0x152: {  	v23 =	vsel vm0, $0xFFFFFFFF, v23  }
0x153: {  	[tilespmem:$0x1FC10] =	vst v23;
	v23 =	vld [tilespmem:$0x1FAE0];
	_ =	sdelay $0x4  }
0x154: {  	vm11 =	vnez.u8 v23  }
0x155: {  	v23 =	vimm.s32 $0x0;
	vm0 =	vmand vm11, vm6  }
0x156: {  	v23 =	vsel vm0, $0xFFFFFFFF, v23  }
0x157: {  	[tilespmem:$0x1FC20] =	vst v23;
	v23 =	vld [tilespmem:$0x1FAF0];
	_ =	sdelay $0x4  }
0x158: {  	vm12 =	vnez.u8 v23  }
0x159: {  	v23 =	vimm.s32 $0x0;
	vm0 =	vmand vm12, vm6  }
0x15a: {  	v23 =	vsel vm0, $0xFFFFFFFF, v23  }
0x15b: {  	[tilespmem:$0x1FC30] =	vst v23;
	v23 =	vld [tilespmem:$0x1FB00];
	_ =	sdelay $0x4  }
0x15c: {  	vm13 =	vnez.u8 v23  }
0x15d: {  	v23 =	vimm.s32 $0x0;
	vm0 =	vmand vm13, vm6  }
0x15e: {  	v23 =	vsel vm0, $0xFFFFFFFF, v23  }
0x15f: {  	[tilespmem:$0x1FC40] =	vst v23;
	v23 =	vld [tilespmem:$0x1FB10]  }
0x160: {  	v42 =	vperm.xlane v15, v4;
	v40 =	vperm.xlane v16, v4  }
0x161: {  	v41 =	vperm.xlane v17, v4;
	v39 =	vperm.xlane v21, v4  }
0x162: {  	v37 =	vperm.xlane v18, v4;
	v38 =	vperm.xlane v19, v4  }
0x163: {  	v32 =	vperm.xlane v21, v5;
	v36 =	vperm.xlane v20, v4;
	[tilespmem:$0x1FB20] =	vst v22  }
0x164: {  	v26 =	vperm.xlane v19, v5;
	v43 =	vsel vm15, $0x1, v1;
	vm15 =	vnez.u8 v23;
	v23 =	vld [tilespmem:$0x1FB20]  }
0x165: {  	v34 =	vperm.xlane v15, v5;
	v33 =	vperm.xlane v21, v6;
	v54 =	vld [tilespmem:$0x1FB30]  }
0x166: {  	v59 =	vimm.s32 $0x0;
	v28 =	vperm.xlane v16, v5;
	v24 =	vperm.xlane v18, v5;
	v55 =	vld [tilespmem:$0x1FB40]  }
0x167: {  	v61 =	vimm.s32 $0x0;
	v29 =	vperm.xlane v16, v6;
	v25 =	vperm.xlane v18, v6;
	v56 =	vld [tilespmem:$0x1FB50]  }
0x168: {  	v63 =	vimm.s32 $0x0;
	v27 =	vperm.xlane v19, v6;
	v30 =	vperm.xlane v17, v5;
	v57 =	vld [tilespmem:$0x1FB60]  }
0x169: {  	v58 =	vld [tilespmem:$0x1FB70];
	vm6 =	vgt.f32 v44, v15;
	v44 =	vsel vm15, $0x1, v1;
	vm15 =	vnez.u8 v23  }
0x16a: {  	v51 =	vld [tilespmem:$0x1FB80];
	vm5 =	vgt.f32 v45, v16;
	v45 =	vsel vm15, $0x1, v1;
	vm15 =	vnez.u8 v54  }
0x16b: {  	v52 =	vld [tilespmem:$0x1FB90];
	vm2 =	vgt.f32 v46, v17;
	v46 =	vsel vm15, $0x1, v1;
	vm15 =	vnez.u8 v55  }
0x16c: {  	vm3 =	vgt.f32 v47, v18;
	v53 =	vld [tilespmem:$0x1FBA0];
	v47 =	vsel vm15, $0x1, v1;
	vm15 =	vnez.u8 v56  }
0x16d: {  	vm1 =	vgt.f32 v48, v19;
	v54 =	vld [tilespmem:$0x1FBB0];
	v48 =	vsel vm15, $0x1, v1;
	vm15 =	vnez.u8 v57  }
0x16e: {  	vm0 =	vgt.f32 v49, v20;
	v55 =	vld [tilespmem:$0x1FBC0];
	v49 =	vsel vm15, $0x1, v1;
	vm15 =	vnez.u8 v58  }
0x16f: {  	v31 =	vperm.xlane v17, v6;
	v50 =	vsel vm15, $0x1, v1;
	vm15 =	vnez.u8 v51  }
0x170: {  	v22 =	vperm.xlane v20, v5;
	v60 =	vld [tilespmem:$0x1FBD0];
	v51 =	vsel vm15, $0x1, v1;
	vm15 =	vnez.u8 v52  }
0x171: {  	vm4 =	vgt.f32 v35, v21;
	v56 =	vld [tilespmem:$0x1FBE0];
	v52 =	vsel vm15, $0x1, v1;
	vm15 =	vnez.u8 v53  }
0x172: {  	v35 =	vperm.xlane v15, v6;
	v57 =	vld [tilespmem:$0x1FBF0];
	v53 =	vsel vm15, $0x1, v1;
	vm15 =	vnez.u8 v54  }
0x173: {  	vm7 =	veq.f32 v36, v20;
	v62 =	vld [tilespmem:$0x1FC00];
	v54 =	vsel vm15, $0x1, v1;
	vm15 =	vnez.u8 v55  }
0x174: {  	vm8 =	veq.f32 v38, v19;
	vm9 =	veq.f32 v37, v18;
	vm4 =	vmor vm4, vm15  }
0x175: {  	vm9 =	vmand vm9, vm14;
	vm15 =	vnez.u8 v60;
	v55 =	vsel vm4, $0xFFFFFFFF, v59  }
0x176: {  	vm10 =	veq.f32 v41, v17;
	[tilespmem:$0x1FC50] =	vst v55;
	v55 =	vsel vm15, $0x1, v1;
	vm15 =	vnez.u8 v56  }
0x177: {  	vm11 =	veq.f32 v40, v16;
	v60 =	vld [tilespmem:$0x1FC10];
	v56 =	vsel vm15, $0x1, v1;
	vm15 =	vnez.u8 v57  }
0x178: {  	vm13 =	veq.f32 v39, v21;
	vm4 =	vmor vm6, vm15;
	vm15 =	vnez.u8 v62;
	v62 =	vld [tilespmem:$0x1FC20]  }
0x179: {  	vm11 =	vmand vm11, vm14;
	vm12 =	veq.f32 v42, v15;
	vm13 =	vmand vm13, vm14  }
0x17a: {  	v43 =	vadd.s32 v43, v44;
	v23 =	vperm.xlane v20, v6;
	v44 =	vadd.s32 v45, v46  }
0x17b: {  	v45 =	vadd.s32 v47, v48;
	v46 =	vadd.s32 v49, v50;
	v47 =	vadd.s32 v51, v52  }
0x17c: {  	v57 =	vsel vm4, $0xFFFFFFFF, v61;
	vm4 =	vmor vm5, vm15;
	vm15 =	vnez.u8 v60;
	v60 =	vld [tilespmem:$0x1FC30]  }
0x17d: {  	v49 =	vadd.s32 v53, v54;
	v50 =	vadd.s32 v55, v56;
	vm6 =	vnez.u8 v62;
	v62 =	vld [tilespmem:$0x1FC40]  }
0x17e: {  	v61 =	vimm.s32 $0x0;
	vm5 =	vmand vm12, vm14;
	vm12 =	veq.f32 v24, v18  }
0x17f: {  	[tilespmem:$0x1FC60] =	vst v57;
	v57 =	vsel vm4, $0xFFFFFFFF, v63;
	vm2 =	vmor vm2, vm15;
	v63 =	vimm.s32 $0x0  }
0x180: {  	[tilespmem:$0x1FC70] =	vst v57;
	v57 =	vsel vm2, $0xFFFFFFFF, v61;
	v61 =	vimm.s32 $0x0;
	vm2 =	vmor vm3, vm6  }
0x181: {  	vm15 =	vnez.u8 v60;
	v60 =	vimm.s32 $0x0;
	vm6 =	vmand vm10, vm14  }
0x182: {  	[tilespmem:$0x1FC80] =	vst v57;
	v57 =	vsel vm2, $0xFFFFFFFF, v63;
	vm1 =	vmor vm1, vm15;
	vm4 =	vnez.u8 v62  }
0x183: {  	v63 =	vimm.s32 $0x0;
	[tilespmem:$0x1FC90] =	vst v57;
	v57 =	vsel vm1, $0xFFFFFFFF, v61;
	vm0 =	vmor vm0, vm4  }
0x184: {  	vm10 =	vmand vm8, vm14;
	vm8 =	vgt.f32 v39, v21;
	[tilespmem:$0x1FCA0] =	vst v57;
	v57 =	vsel vm0, $0xFFFFFFFF, v63  }
0x185: {  	v52 =	vld [tilespmem:$0x1FC50];
	vm14 =	vmand vm7, vm14;
	v61 =	vimm.s32 $0x0;
	[tilespmem:$0x1FCB0] =	vst v57;
	v57 =	vsel vm5, $0xFFFFFFFF, v60  }
0x186: {  	v55 =	vld [tilespmem:$0x1FC60];
	vm3 =	vgt.f32 v40, v16;
	v62 =	vimm.s32 $0x0;
	[tilespmem:$0x1FCC0] =	vst v57;
	v57 =	vsel vm6, $0xFFFFFFFF, v61  }
0x187: {  	v56 =	vld [tilespmem:$0x1FC70];
	vm7 =	veq.f32 v30, v17;
	v63 =	vimm.s32 $0x0;
	[tilespmem:$0x1FCD0] =	vst v57;
	v57 =	vsel vm9, $0xFFFFFFFF, v62  }
0x188: {  	v39 =	vperm.xlane v21, v7;
	v40 =	vperm.xlane v18, v7;
	v58 =	vld [tilespmem:$0x1FC90];
	[tilespmem:$0x1FCE0] =	vst v57;
	v57 =	vsel vm10, $0xFFFFFFFF, v63  }
0x189: {  	vm2 =	veq.f32 v28, v16;
	vm15 =	veq.f32 v26, v19;
	vm13 =	vmor vm8, vm13;
	[tilespmem:$0x1FCF0] =	vst v57;
	v57 =	vld [tilespmem:$0x1FC80]  }
0x18a: {  	vm3 =	vmor vm3, vm11;
	vm1 =	vgt.f32 v36, v20;
	v36 =	vperm.xlane v15, v7;
	v59 =	vld [tilespmem:$0x1FCA0]  }
0x18b: {  	vm14 =	vmor vm1, vm14;
	vm4 =	vgt.f32 v41, v17;
	v61 =	vld [tilespmem:$0x1FCC0];
	vm10 =	vnez.u8 v52  }
0x18c: {  	v41 =	vimm.s32 $0x0;
	v60 =	vld [tilespmem:$0x1FCB0];
	v48 =	vsel vm10, $0x1, v1;
	vm10 =	vnez.u8 v55  }
0x18d: {  	vm0 =	vgt.f32 v37, v18;
	v51 =	vsel vm10, $0x1, v1;
	vm10 =	vnez.u8 v56  }
0x18e: {  	vm5 =	vgt.f32 v42, v15;
	v52 =	vsel vm10, $0x1, v1;
	vm10 =	vnez.u8 v57  }
0x18f: {  	v62 =	vimm.s32 $0x0;
	v53 =	vsel vm10, $0x1, v1;
	vm10 =	vnez.u8 v58  }
0x190: {  	vm8 =	vnez.u8 v61;
	v54 =	vsel vm10, $0x1, v1;
	vm10 =	vnez.u8 v59  }
0x191: {  	vm5 =	vmor vm5, vm8;
	v55 =	vsel vm10, $0x1, v1;
	vm10 =	vnez.u8 v60;
	v60 =	vld [tilespmem:$0x1FCD0]  }
0x192: {  	v37 =	vsel vm12, $0xFFFFFFFF, v41;
	vm12 =	vgt.f32 v38, v19;
	v57 =	vsel vm5, $0xFFFFFFFF, v62;
	v62 =	vld [tilespmem:$0x1FCE0]  }
0x193: {  	v38 =	vperm.xlane v17, v7;
	v41 =	vperm.xlane v19, v7;
	v42 =	vimm.s32 $0x0  }
0x194: {  	[tilespmem:$0x1FD00] =	vst v37;
	vm6 =	veq.f32 v34, v15;
	v37 =	vsel vm15, $0xFFFFFFFF, v42;
	vm15 =	veq.f32 v22, v20  }
0x195: {  	v42 =	vperm.xlane v20, v7;
	vm9 =	veq.f32 v32, v21;
	[tilespmem:$0x1FD10] =	vst v37;
	v37 =	vperm.xlane v16, v7  }
0x196: {  	v63 =	vimm.s32 $0x0;
	v61 =	vimm.s32 $0x0;
	vm8 =	vnez.u8 v60;
	v60 =	vld [tilespmem:$0x1FCF0]  }
0x197: {  	vm5 =	veq.f32 v23, v20;
	v56 =	vsel vm10, $0x1, v1;
	vm10 =	vnez.u8 v62  }
0x198: {  	[tilespmem:$0x1FD20] =	vst v57;
	v57 =	vsel vm3, $0xFFFFFFFF, v63;
	v63 =	vimm.s32 $0x0;
	v62 =	vld [tilespmem:$0x1FFB0];
	vm0 =	vmor vm0, vm10  }
0x199: {  	vm3 =	vmor vm4, vm8;
	vm4 =	vgt.f32 v28, v16;
	v28 =	vadd.s32 v53, v46  }
0x19a: {  	[tilespmem:$0x1FD30] =	vst v57;
	v53 =	vimm.s32 $0x0;
	v57 =	vsel vm3, $0xFFFFFFFF, v61;
	v61 =	vimm.s32 $0x0  }
0x19b: {  	vm3 =	vgt.f32 v30, v17;
	v30 =	vadd.s32 v54, v47;
	vm11 =	vnez.u8 v60  }
0x19c: {  	[tilespmem:$0x1FD40] =	vst v57;
	v57 =	vsel vm0, $0xFFFFFFFF, v63;
	v63 =	vimm.s32 $0x0;
	vm0 =	vmor vm12, vm11  }
0x19d: {  	[tilespmem:$0x1FD50] =	vst v57;
	v60 =	vimm.s32 $0x0;
	v57 =	vsel vm0, $0xFFFFFFFF, v61;
	vm0 =	vnez.u8 v62  }
0x19e: {  	v61 =	vimm.s32 $0x0;
	v62 =	vimm.s32 $0x0;
	vm12 =	vmand vm9, vm0  }
0x19f: {  	[tilespmem:$0x1FD60] =	vst v57;
	vm8 =	vmand vm6, vm0;
	vm9 =	vmand vm2, vm0;
	v57 =	vsel vm12, $0xFFFFFFFF, v63;
	v63 =	vld [tilespmem:$0x1FD00]  }
0x1a0: {  	vm10 =	vmand vm7, vm0;
	vm6 =	vgt.f32 v34, v15;
	[tilespmem:$0x1FD70] =	vst v57;
	v57 =	vsel vm8, $0xFFFFFFFF, v60  }
0x1a1: {  	vm7 =	veq.f32 v25, v18;
	vm2 =	vgt.f32 v22, v20;
	[tilespmem:$0x1FD80] =	vst v57;
	v57 =	vsel vm9, $0xFFFFFFFF, v61;
	v61 =	vld [tilespmem:$0x1FD10]  }
0x1a2: {  	v22 =	vadd.s32 v48, v43;
	v34 =	vadd.s32 v55, v49;
	v43 =	vadd.s32 v56, v50  }
0x1a3: {  	v49 =	vsel vm14, $0x1, v1;
	v55 =	vimm.s32 $0x0;
	v60 =	vimm.s32 $0x0  }
0x1a4: {  	vm8 =	vgt.f32 v32, v21;
	vm9 =	veq.f32 v27, v19;
	vm11 =	vnez.u8 v63  }
0x1a5: {  	v58 =	vld [tilespmem:$0x1FD40];
	[tilespmem:$0x1FD90] =	vst v57;
	v57 =	vsel vm10, $0xFFFFFFFF, v62;
	v62 =	vimm.s32 $0x0;
	vm1 =	vmand vm11, vm0  }
0x1a6: {  	v56 =	vld [tilespmem:$0x1FD20];
	vm10 =	veq.f32 v31, v17;
	[tilespmem:$0x1FDA0] =	vst v57;
	v57 =	vsel vm1, $0xFFFFFFFF, v60;
	vm12 =	vnez.u8 v61  }
0x1a7: {  	v63 =	vimm.s32 $0x0;
	vm11 =	veq.f32 v29, v16;
	[tilespmem:$0x1FDB0] =	vst v57;
	vm1 =	vmand vm12, vm0;
	v57 =	vld [tilespmem:$0x1FD30]  }
0x1a8: {  	v59 =	vld [tilespmem:$0x1FD50];
	vm0 =	vmand vm15, vm0;
	vm15 =	veq.f32 v33, v21;
	v32 =	vsel vm1, $0xFFFFFFFF, v62  }
0x1a9: {  	[tilespmem:$0x1FDC0] =	vst v32;
	v32 =	vsel vm0, $0xFFFFFFFF, v63;
	vm0 =	vgt.f32 v26, v19;
	v26 =	vadd.s32 v52, v45;
	v52 =	vld [tilespmem:$0x1FD90]  }
0x1aa: {  	v60 =	vld [tilespmem:$0x1FD60];
	vm12 =	veq.f32 v35, v15;
	vm1 =	vgt.f32 v24, v18;
	v24 =	vadd.s32 v51, v44  }
0x1ab: {  	v63 =	vimm.s32 $0x0;
	[tilespmem:$0x1FDD0] =	vst v32;
	v32 =	vsel vm13, $0x1, v1;
	vm13 =	vnez.u8 v56;
	v56 =	vld [tilespmem:$0x1FDB0]  }
0x1ac: {  	v61 =	vld [tilespmem:$0x1FD70];
	v44 =	vsel vm13, $0x1, v1;
	v22 =	vadd.s32 v32, v22;
	vm13 =	vnez.u8 v57  }
0x1ad: {  	v62 =	vld [tilespmem:$0x1FD80];
	v57 =	vimm.s32 $0x0;
	v45 =	vsel vm13, $0x1, v1;
	vm13 =	vnez.u8 v58  }
0x1ae: {  	v46 =	vsel vm13, $0x1, v1;
	vm13 =	vnez.u8 v59;
	vm14 =	vnez.u8 v52  }
0x1af: {  	v54 =	vld [tilespmem:$0x1FDA0];
	v59 =	vimm.s32 $0x0;
	v52 =	vimm.s32 $0x0;
	v47 =	vsel vm13, $0x1, v1  }
0x1b0: {  	v58 =	vld [tilespmem:$0x1FDC0];
	vm13 =	vnez.u8 v60;
	vm4 =	vmor vm4, vm14;
	vm14 =	vnez.u8 v56  }
0x1b1: {  	v56 =	vimm.s32 $0x0;
	v48 =	vsel vm13, $0x1, v1;
	vm13 =	vnez.u8 v61  }
0x1b2: {  	vm1 =	vmor vm1, vm14;
	vm8 =	vmor vm8, vm13;
	vm13 =	vnez.u8 v62  }
0x1b3: {  	v61 =	vimm.s32 $0x0;
	v62 =	vimm.s32 $0x0;
	vm6 =	vmor vm6, vm13  }
0x1b4: {  	v60 =	vld [tilespmem:$0x1FFC0];
	vm13 =	vnez.u8 v54;
	v54 =	vimm.s32 $0x0;
	v50 =	vsel vm6, $0xFFFFFFFF, v63  }
0x1b5: {  	vm3 =	vmor vm3, vm13;
	v63 =	vld [tilespmem:$0x1FDD0];
	[tilespmem:$0x1FDE0] =	vst v50;
	v50 =	vsel vm4, $0xFFFFFFFF, v53;
	vm4 =	vnez.u8 v58  }
0x1b6: {  	v53 =	vimm.s32 $0x0;
	v58 =	vadd.s32 v48, v34;
	v48 =	vimm.s32 $0x0  }
0x1b7: {  	[tilespmem:$0x1FDF0] =	vst v50;
	v50 =	vsel vm3, $0xFFFFFFFF, v55;
	vm0 =	vmor vm0, vm4;
	v55 =	vimm.s32 $0x0  }
0x1b8: {  	vm3 =	veq.f32 v36, v15;
	[tilespmem:$0x1FE00] =	vst v50;
	v50 =	vsel vm1, $0xFFFFFFFF, v57;
	v57 =	vimm.s32 $0x0  }
0x1b9: {  	[tilespmem:$0x1FE10] =	vst v50;
	v50 =	vsel vm0, $0xFFFFFFFF, v59;
	vm0 =	vnez.u8 v60;
	v59 =	vadd.s32 v49, v43  }
0x1ba: {  	vm6 =	vmand vm15, vm0;
	vm12 =	vmand vm12, vm0;
	vm13 =	vnez.u8 v63  }
0x1bb: {  	vm14 =	vmand vm11, vm0;
	vm15 =	vmand vm10, vm0;
	vm4 =	vmand vm7, vm0  }
0x1bc: {  	vm7 =	vgt.f32 v33, v21;
	vm11 =	vgt.f32 v27, v19;
	v27 =	vsel vm8, $0x1, v1  }
0x1bd: {  	[tilespmem:$0x1FE20] =	vst v50;
	v50 =	vsel vm6, $0xFFFFFFFF, v61;
	vm1 =	vmor vm2, vm13;
	vm6 =	vmand vm9, vm0  }
0x1be: {  	v60 =	vld [tilespmem:$0x1FDE0];
	vm0 =	vmand vm5, vm0;
	vm13 =	veq.f32 v39, v21;
	[tilespmem:$0x1FE40] =	vst v50;
	v50 =	vsel vm12, $0xFFFFFFFF, v62  }
0x1bf: {  	v63 =	vld [tilespmem:$0x1FE10];
	vm2 =	vgt.f32 v35, v15;
	vm9 =	vgt.f32 v31, v17;
	v33 =	vsel vm6, $0xFFFFFFFF, v56;
	[tilespmem:$0x1FE50] =	vst v50  }
0x1c0: {  	vm5 =	vgt.f32 v25, v18;
	v25 =	vadd.s32 v46, v28;
	v61 =	vld [tilespmem:$0x1FDF0];
	v50 =	vsel vm1, $0xFFFFFFFF, v52;
	[tilespmem:$0x1FE90] =	vst v33  }
0x1c1: {  	vm6 =	veq.f32 v40, v18;
	vm12 =	veq.f32 v41, v19;
	v62 =	vld [tilespmem:$0x1FE00];
	[tilespmem:$0x1FE30] =	vst v50;
	v50 =	vsel vm14, $0xFFFFFFFF, v53  }
0x1c2: {  	v43 =	vld [tilespmem:$0x1FE20];
	v56 =	vimm.s32 $0x0;
	v33 =	vsel vm0, $0xFFFFFFFF, v57;
	[tilespmem:$0x1FE60] =	vst v50;
	v50 =	vsel vm15, $0xFFFFFFFF, v54  }
0x1c3: {  	vm0 =	vgt.f32 v29, v16;
	vm8 =	vnez.u8 v60;
	v46 =	vld [tilespmem:$0x1FE50];
	[tilespmem:$0x1FE70] =	vst v50;
	v50 =	vsel vm4, $0xFFFFFFFF, v55  }
0x1c4: {  	vm4 =	vgt.f32 v23, v20;
	v23 =	vadd.s32 v44, v24;
	v24 =	vadd.s32 v45, v26;
	v44 =	vld [tilespmem:$0x1FE30]  }
0x1c5: {  	v26 =	vadd.s32 v47, v30;
	v30 =	vsel vm8, $0x1, v1;
	vm8 =	vnez.u8 v61;
	v45 =	vld [tilespmem:$0x1FE40]  }
0x1c6: {  	vm1 =	veq.f32 v42, v20;
	v47 =	vld [tilespmem:$0x1FE60];
	v31 =	vsel vm8, $0x1, v1;
	vm8 =	vnez.u8 v62  }
0x1c7: {  	v52 =	vimm.s32 $0x0;
	[tilespmem:$0x1FE80] =	vst v50;
	v49 =	vld [tilespmem:$0x1FE70];
	v32 =	vsel vm8, $0x1, v1;
	vm8 =	vnez.u8 v63  }
0x1c8: {  	v57 =	vimm.s32 $0x0;
	[tilespmem:$0x1FEA0] =	vst v33;
	v50 =	vld [tilespmem:$0x1FE80];
	v33 =	vsel vm8, $0x1, v1;
	vm8 =	vnez.u8 v43  }
0x1c9: {  	vm14 =	veq.f32 v38, v17;
	v51 =	vld [tilespmem:$0x1FE90];
	v34 =	vsel vm8, $0x1, v1;
	vm8 =	vnez.u8 v44  }
0x1ca: {  	vm15 =	veq.f32 v37, v16;
	v35 =	vsel vm8, $0x1, v1;
	vm8 =	vnez.u8 v45  }
0x1cb: {  	v53 =	vld [tilespmem:$0x1FFD0];
	v54 =	vimm.s32 $0x0;
	vm10 =	vmor vm7, vm8;
	vm8 =	vnez.u8 v47  }
0x1cc: {  	vm7 =	vnez.u8 v46;
	vm0 =	vmor vm0, vm8;
	vm8 =	vnez.u8 v49  }
0x1cd: {  	v55 =	vld [tilespmem:$0x1FEA0];
	vm7 =	vmor vm2, vm7;
	vm9 =	vmor vm9, vm8;
	vm8 =	vnez.u8 v50  }
0x1ce: {  	vm2 =	vgt.f32 v40, v18;
	vm8 =	vmor vm5, vm8;
	vm5 =	vnez.u8 v51  }
0x1cf: {  	v18 =	vadd.s32 v32, v25;
	v43 =	vsel vm0, $0xFFFFFFFF, v48;
	vm0 =	vmor vm11, vm5  }
0x1d0: {  	[tilespmem:$0x1FEB0] =	vst v43;
	v25 =	vsel vm9, $0x1, v1;
	v43 =	vsel vm0, $0xFFFFFFFF, v52;
	vm0 =	vnez.u8 v53  }
0x1d1: {  	v25 =	vadd.s32 v25, v18;
	vm11 =	vmand vm13, vm0;
	vm5 =	vmand vm3, vm0  }
0x1d2: {  	vm13 =	vnez.u8 v55;
	vm14 =	vmand vm14, vm0;
	vm6 =	vmand vm6, vm0  }
0x1d3: {  	vm3 =	vgt.f32 v41, v19;
	v19 =	vadd.s32 v33, v26;
	v26 =	vsel vm8, $0x1, v1  }
0x1d4: {  	[tilespmem:$0x1FEC0] =	vst v43;
	v43 =	vsel vm5, $0xFFFFFFFF, v54;
	vm13 =	vmor vm4, vm13;
	vm5 =	vmand vm15, vm0  }
0x1d5: {  	vm15 =	vgt.f32 v39, v21;
	vm4 =	vgt.f32 v42, v20;
	v20 =	vadd.s32 v34, v58  }
0x1d6: {  	v21 =	vsel vm10, $0x1, v1;
	[tilespmem:$0x1FED0] =	vst v43;
	v43 =	vsel vm5, $0xFFFFFFFF, v56;
	vm5 =	vmand vm1, vm0  }
0x1d7: {  	vm1 =	vgt.f32 v38, v17;
	v17 =	vadd.s32 v31, v24;
	v58 =	vsel vm13, $0x1, v1  }
0x1d8: {  	v24 =	vld [tilespmem:$0x1FEB0];
	[tilespmem:$0x1FEE0] =	vst v43;
	v43 =	vsel vm6, $0xFFFFFFFF, v57;
	vm6 =	vmand vm12, vm0;
	vm12 =	vgt.f32 v36, v15  }
0x1d9: {  	vm0 =	vgt.f32 v37, v16;
	v15 =	vadd.s32 v27, v22;
	v16 =	vadd.s32 v30, v23;
	v27 =	vld [tilespmem:$0x1FEC0]  }
0x1da: {  	v22 =	vsel vm7, $0x1, v1;
	v23 =	vadd.s32 v35, v59;
	vm7 =	vmor vm15, vm11;
	v59 =	vld [tilespmem:$0x1FED0]  }
0x1db: {  	vm1 =	vmor vm1, vm14;
	vm4 =	vmor vm4, vm5;
	v60 =	vld [tilespmem:$0x1FEE0];
	vm3 =	vmor vm3, vm6  }
0x1dc: {  	[tilespmem:$0x1FEF0] =	vst v43;
	v15 =	vadd.s32 v21, v15;
	v62 =	vadd.s32 v22, v16;
	v16 =	vsel vm7, $0x1, v1  }
0x1dd: {  	v21 =	vadd.s32 v26, v19;
	v26 =	vsel vm1, $0x1, v1;
	v61 =	vld [tilespmem:$0x1FEF0];
	v22 =	vadd.s32 v16, v15  }
0x1de: {  	s12 =	sadd.s32 $0x80, s12;
	v16 =	vsel vm4, $0x1, v1;
	vm10 =	vnez.u8 v24;
	vm15 =	vnez.u8 v27  }
0x1df: {  	p0 =	slt.u32 s12, $0x7F80;
	v15 =	vadd.s32 v26, v25;
	v24 =	vsel vm10, $0x1, v1;
	v27 =	vsel vm15, $0x1, v1  }
.Ltmp0:
0x1e0: {  	vm15 =	vnez.u8 v59;
	vm13 =	vnez.u8 v60;
	v63 =	vadd.s32 v24, v17;
	(pc) =	sbr.rel @p0 .LBB2_3-.Ltmp0, $4  }
0x1e1: {  	v17 =	vsel vm3, $0x1, v1;
	vm8 =	vmor vm12, vm15;
	vm0 =	vmor vm0, vm13  }
0x1e2: {  	vm15 =	vnez.u8 v61;
	v19 =	vadd.s32 v27, v20;
	v20 =	vadd.s32 v58, v23  }
0x1e3: {  	vm2 =	vmor vm2, vm15;
	v24 =	vsel vm8, $0x1, v1;
	v23 =	vsel vm0, $0x1, v1  }
0x1e4: {  	s11 =	smov.u32 s13;
	s13 =	sadd.s32 $0x80, s13;
	v18 =	vsel vm2, $0x1, v1;
	v24 =	vadd.s32 v24, v62;
	v23 =	vadd.s32 v23, v63  }
0x1e5: {  	vm0 =	vlt.u32 v22, $0x4  }
0x1e6: {  	vm1 =	vlt.u32 v24, $0x4;
	v14 =	vnsel vm0, $0x0, v14  }
0x1e7: {  	vm11 =	vlt.u32 v23, $0x4;
	v8 =	vnsel vm1, $0x0, v8;
	[tilespmem:s11+$0xFFFFFFC0] =	vst v14  }
0x1e8: {  	v61 =	vadd.s32 v18, v21;
	vm8 =	vlt.u32 v15, $0x4;
	v9 =	vnsel vm11, $0x0, v9;
	[tilespmem:s11+$0xFFFFFFD0] =	vst v8  }
0x1e9: {  	vm9 =	vlt.u32 v61, $0x4;
	v11 =	vnsel vm8, $0x0, v11;
	v8 =	vadd.s32 v17, v19;
	[tilespmem:s11+$0xFFFFFFE0] =	vst v9  }
0x1ea: {  	v62 =	vadd.s32 v16, v20;
	[tilespmem:s11+$0xFFFFFFF0] =	vst v11;
	vm10 =	vlt.u32 v8, $0x4;
	v8 =	vnsel vm9, $0x0, v10  }
0x1eb: {  	vm11 =	vlt.u32 v62, $0x4;
	v63 =	vnsel vm10, $0x0, v12;
	[tilespmem:s11+$0x0] =	vst v8  }
0x1ec: {  	v8 =	vnsel vm11, $0x0, v13;
	[tilespmem:s11+$0x10] =	vst v63  }
0x1ed: {  	s10 =	sadd.s32 s4, s10;
	[tilespmem:s11+$0x20] =	vst v8  }
0x1ee: {  	[hbm4b:s10+s2] =	stream.linear.scatter [tilespmem:s2], [sflag:$0x1], $0x8000, $0x38;
	[tilespmem:$0x8000] =	vst v63  }
0x1ef: {  	_ =	swait.ge [sflag:s7], $0x8000  }
0x1f0: {  	v8 =	vld [tilespmem:$0x1FFE0];
	_ =	sdelay $0x3  }
0x1f1: {  	s9 =	sadd.s32 $0x1, s9  }
0x1f2: {  	p0 =	sne.s32 s9, $0x40;
	vm15 =	vnez.u8 v8;
	v8 =	vld [tilespmem:$0x1FFF0]  }
.Ltmp1:
0x1f3: {  	_ = 	snop;
	(pc) =	sbr.rel @p0 .LBB2_2-.Ltmp1, $3  }
0x1f4: {  	_ =	sdelay $0x1  }
0x1f5: {  	[sflag:s7] =	ssyncset.done $0x0  }
0x1f6: {  	[sflag:s7] =	ssyncadd.s32 $0xFFFF8000;
	vm4 =	vnez.u8 v8  }
0x1f7: {  	s8 =	sadd.s32 $0x1, s8  }
0x1f8: {  	p0 =	sne.s32 s8, s6  }
.Ltmp2:
0x1f9: {  	_ = 	snop;
	(pc) =	sbr.rel @p0 .LBB2_1-.Ltmp2, $1  }
0x1fa: {  	_ =	sdelay $0x3  }
0x1fb: {  	_ =	sfence.sel $0x180000  }
0x1fc: {  	[bflag:$0x0] =	sbarrier.arrive $0xFFFF  }
0x1fd: {  	p0 =	sne.s32 s3, $0x0;
	_ =	strace $0x9000004A  }
0x1fe: {  	s0 =	sadd.s32 @!p0 $0x100000, s1;
	[bflag:$0x2] =	sbarrier.arrive $0xFFFF  }
0x1ff: {  	[sflag:s0] =	ssyncadd.tile.s32 @!p0 $0x1;
	_ =	shalt  }
.Lfunc_end2:
_tile_overlayer_lowered:
.L_overlay_start_2:
0x200: {  	(tag) =	ssettag $0x2  }
0x201: {  	s0 =	rddreg [dreg:$0x0];
	s2 =	stileid.u32  }
0x202: {  	s1 =	rddreg [dreg:$0x1];
	p0 =	sne.s32 s2, $0x0  }
0x203: {  	s3 =	rddreg [dreg:$0x2];
	[bflag:$0x3] =	sbarrier.arrive $0xFFFF;
	s2 =	simm.s32 @!p0 $0x1C01  }
0x204: {  	[timem:s3], [sflag:s2] =	dma.local @!p0 [hbm:s0], s1  }
0x205: {  	s0 =	simm.s32 @!p0 $0x1  }
0x206: {  	_ =	swait.ge @!p0 [sflag:s0], s1  }
0x207: {  	s1 =	ssub.s32 @!p0 $0x0, s1;
	[sflag:s0] =	ssyncset.done @!p0 $0x0  }
0x208: {  	[sflag:s0] =	ssyncadd.s32 @!p0 s1  }
0x209: {  	[bflag:$0x3] =	sbarrier.arrive $0xFFFF  }
0x20a: {  	_ =	shalt  }

// kernel: sparse-core-data-format-call.cloned.1.call-start
scs
called_computation_lowered:
.L_overlay_start_0:
0x0: {  	s2 =	sld [smem:$0x3FD9]  }
0x1: {  	s3 =	sld [smem:$0x3FFE];
	_ =	sdelay $0x1  }
0x2: {  	s1 =	srdreg.scid  }
0x3: {  	s0 =	sand.u32 $0x1, s1  }
0x4: {  	s19 =	sshll.u32 s0, $0xA;
	s2 =	sadd.s32 s3, s2  }
0x5: {  	s2 =	sadd.s32 s2, s19  }
0x6: {  	[smem:$0x3FC7] =	sst s2  }
0x7: {  	_ = 	snop  }
0x8: {  	s2 =	sld [smem:$0x3FC9]  }
0x9: {  	s20 =	sld [smem:$0x3FD0];
	(tm) =	ssettm $0x1  }
0xa: {  	s4 =	sld [smem:$0x3FFB];
	_ =	sdelay $0x3  }
0xb: {  	_ =	strace s4  }
0xc: {  	s4 =	sld [smem:$0x3FFC];
	_ =	sdelay $0x3  }
0xd: {  	_ =	strace s4  }
0xe: {  	s4 =	sld [smem:$0x3FFD];
	_ =	sdelay $0x3  }
0xf: {  	_ =	strace s4  }
0x10: {  	_ =	strace $0x8FFFFFFF  }
0x11: {  	s21 =	sld [smem:$0x3FDB];
	_ =	sdelay $0x1  }
0x12: {  	s5 =	simm.s32 $_scs_section_size  }
0x13: {  	s6 =	simm.s32 $_size__tile_overlayer_lowered;
	s7 =	simm.s32 $_tile_overlayer_lowered  }
0x14: {  	s24 =	simm.s32 $0x1BFF;
	s23 =	sshll.u32 s7, $0x1;
	s4 =	sadd.s32 s5, s21  }
0x15: {  	s8 =	simm.s32 $0x0;
	s22 =	sshll.u32 s6, $0x1;
	s6 =	sadd.s32 s23, s4  }
0x16: {  	[timem:s8], [sflag:s24] =	dma.local [hbm:s6], s22  }
0x17: {  	_ =	swait.ge [sflag:s24], s22  }
0x18: {  	s5 =	ssub.s32 $0x0, s22;
	[sflag:s24] =	ssyncset.done $0x0  }
0x19: {  	[sflag:s24] =	ssyncadd.s32 s5;
	_ =	sdelay $0x1  }
0x1a: {  	s25 =	simm.s32 $0x1B8B  }
0x1b: {  	_ =	swait.ge [sflag:s25], $0x1  }
0x1c: {  	[sflag:s25] =	ssyncset.done $0x0  }
0x1d: {  	s26 =	simm.s32 $0x1B8E;
	[sflag:s25] =	ssyncadd.s32 $0xFFFFFFFF  }
0x1e: {  	s27 =	simm.s32 $execute0_lowered;
	[smem:$0x3FD2] =	sst s26  }
0x1f: {  	s5 =	sshll.u32 s27, $0x1;
	_ =	strace $0x80000046;
	[dreg:$0x1] =	wrdreg $0xFFFFFFFF  }
0x20: {  	s28 =	simm.s32 $_size_execute0_lowered;
	s4 =	sadd.s32 s4, s5;
	[dreg:$0x0] =	wrdreg $0x0  }
0x21: {  	s5 =	sshll.u32 s28, $0x1;
	[dreg:$0x2] =	wrdreg s4  }
0x22: {  	[dreg:$0x3] =	wrdreg s5  }
0x23: {  	[dreg:$0x4] =	wrdreg $0xC0  }
0x24: {  	_ =	task [dreg:s8], $0x5FFFF  }
0x25: {  	[dreg:$0x1] =	wrdreg $0xFFFFFFFF  }
0x26: {  	[dreg:$0x0] =	wrdreg $0x60  }
0x27: {  	[dreg:$0x2] =	wrdreg s2  }
0x28: {  	[dreg:$0x3] =	wrdreg s20  }
0x29: {  	[dreg:$0x4] =	wrdreg $0x9  }
0x2a: {  	_ =	task.clear_ibuf [dreg:s8], $0x5FFFF;
	_ =	strace $0x90000046  }
0x2b: {  	s29 =	simm.s32 $0x9;
	_ =	strace $0x80000048  }
0x2c: {  	_ =	swait.ge [sflag:s29], $0x1  }
0x2d: {  	[sflag:s29] =	ssyncadd.s32 $0xFFFFFFFF  }
0x2e: {  	_ =	strace $0x90000048  }
0x2f: {  	_ =	sfence  }
0x30: {  	s30 =	sld [smem:$0x0];
	_ =	sdelay $0x2  }
0x31: {  	s31 =	sshll.u32 s1, $0xD;
	s1 =	sshrl.u32 s1, $0x2  }
0x32: {  	s3 =	sand.u32 $0x4000, s31;
	s1 =	sadd.s32 s1, s30  }
0x33: {  	s0 =	sor.u32 s3, s0;
	s1 =	sshll.u32 s1, $0x11  }
0x34: {  	s0 =	sor.u32 s1, s0  }
0x35: {  	s0 =	sadd.s32 $0x8F2B, s0  }
0x36: {  	[sflag:s0] =	ssyncadd.remote.s32 $0x1  }
0x37: {  	_ =	sfence.sel $0xFFFF  }
0x38: {  	[dreg:$0x0] =	wrdreg $0xFFFFFFFF;
	(pc) =	sbr.abs _section_cstart, $3  }
0x39: {  	[dreg:$0x1] =	wrdreg $0xFFFFFFFF  }
0x3a: {  	_ =	task.clear_ibuf [dreg:s8], $0x2FFFF;
	_ =	strace $0x9FFFFFFF  }
0x3b: {  	(tm) =	ssettm $0x7FFFFFFF  }
tec
execute0_lowered:
.L_overlay_start_1:
0x0: {  	(tag) =	ssettag $0x1  }
0x1: {  	s2 =	rddreg [dreg:$0x0]  }
0x2: {  	s3 =	rddreg [dreg:$0x1]  }
0x3: {  	s0 =	rddreg [dreg:$0x2];
	_ =	strace $0x80000047  }
0x4: {  	s4 =	srdreg.scid;
	s1 =	stileid.u32;
	s6 =	simm.s32 $0x2  }
.Ltmp0:
0x5: {  	s11 =	simm.s32 $0x0;
	p0 =	por $0x0, $0x0;
	(pc) =	sbr.rel .LBB1_1-.Ltmp0, $4  }
0x6: {  	s7 =	simm.s32 $0x4000;
	s12 =	simm.s32 $0x0;
	s5 =	sshll.u32 s4, $0x4  }
0x7: {  	s9 =	simm.s32 $0x0;
	s4 =	simm.s32 $0x1;
	s5 =	sand.u32 $0x10, s5  }
0x8: {  	s8 =	simm.s32 $0x0;
	[sflag:s4] =	ssyncpa.u1 $0x0;
	s5 =	sor.u32 s1, s5  }
0x9: {  	[sflag:s6] =	ssyncpa.u1 $0x0;
	s6 =	simm.s32 $0x800;
	s10 =	smov.u32 s5  }
.LBB1_7:
0xa: {  	s13 =	sadd.s32 $0x10, s9  }
0xb: {  	s11 =	sadd.s32 $0x20, s10;
	s15 =	smov.u32 s10;
	p2 =	sgt.s32 s13, $0x7F  }
0xc: {  	p1 =	slt.u32 s8, $0x2;
	s15 =	smov.u32 @p2 s11  }
0xd: {  	s8 =	sadd.s32 $0x1, s8;
	s13 =	simm.s32 @p2 $0x0;
	p2 =	sgt.s32 s15, $0x1FF  }
0xe: {  	s15 =	smov.u32 @p2 s5;
	p2 =	sne.s32 s8, $0x82  }
.Ltmp1:
0xf: {  	_ = 	snop;
	(pc) =	sbr.rel @!p2 .LBB1_8-.Ltmp1, $4  }
0x10: {  	s14 =	simm.s32 @!p1 $0x2  }
0x11: {  	s12 =	smov.u32 s10;
	_ =	swait.ge @!p1 [sflag:s14], $0x4000  }
0x12: {  	p0 =	por !p0, !p0;
	s11 =	smov.u32 s9;
	[sflag:s14] =	ssyncset.done @!p1 $0x0  }
0x13: {  	s9 =	smov.u32 s13;
	[sflag:s14] =	ssyncadd.s32 @!p1 $0xFFFFC000;
	s10 =	smov.u32 s15  }
.LBB1_1:
0x14: {  	p1 =	sgt.u32 s8, $0x7F  }
0x15: {  	s13 =	sxor.u32 @!p1 $0xFFFFFFFF, s8;
	s14 =	sshll.u32 @!p1 s10, $0xE  }
0x16: {  	s15 =	sshll.u32 @!p1 s9, $0x7;
	s13 =	sshll.u32 @!p1 s13, $0xE;
	s14 =	sadd.s32 @!p1 s2, s14  }
0x17: {  	s13 =	sand.u32 @!p1 $0x4000, s13;
	s14 =	sadd.s32 @!p1 s15, s14;
	s15 =	simm.s32 @!p1 $0x0  }
0x18: {  	[tilespmem:s13], [sflag:$0x1] =	stream.linear.gather @!p1 [hbm4b:s14+s15], $0x4000, $0x38;
	[tilespmem:$0x10000] =	vst v63  }
0x19: {  	p1 =	seq.s32 s8, $0x0  }
0x1a: {  	p2 =	seq.s32 @!p1 s8, $0x81  }
0x1b: {  	p1 =	por p1, p2  }
.Ltmp2:
0x1c: {  	_ = 	snop;
	(pc) =	sbr.rel @p1 .LBB1_7-.Ltmp2, $1  }
0x1d: {  	_ =	sdelay $0x3  }
0x1e: {  	s13 =	simm.s32 $0x1;
	_ =	swait.ge [sflag:s4], $0x4000;
	s16 =	sshll.u32 s8, $0xE  }
0x1f: {  	s13 =	simm.s32 @!p0 $0x0;
	[sflag:s4] =	ssyncset.done $0x0;
	s31 =	sand.u32 $0x4000, s16  }
0x20: {  	s16 =	simm.s32 $0x0;
	s14 =	sshll.u32 s13, $0xE;
	[sflag:s4] =	ssyncadd.s32 $0xFFFFC000  }
0x21: {  	s13 =	sor.u32 $0x8040, s14;
	s15 =	sor.u32 $0x40, s14;
	s14 =	sor.u32 $0x8000, s31  }
.LBB1_3:
0x22: {  	v0 =	vmov s15;
	_ =	sdelay $0x3  }
0x23: {  	s18 =	simm.s32 $0x0  }
0x24: {  	v6 =	vld.idx.msk [tilespmem:v0+s18+$0x30 ss:$0x1], $0xffff  }
0x25: {  	v7 =	vld.idx.msk [tilespmem:v0+s18+$0xFFFFFFC0 ss:$0x1], $0xffff  }
0x26: {  	v5 =	vld.idx.msk [tilespmem:v0+s18+$0xFFFFFFD0 ss:$0x1], $0xffff  }
0x27: {  	v4 =	vld.idx.msk [tilespmem:v0+s18+$0xFFFFFFE0 ss:$0x1], $0xffff  }
0x28: {  	v3 =	vld.idx.msk [tilespmem:v0+s18+$0xFFFFFFF0 ss:$0x1], $0xffff  }
0x29: {  	v1 =	vld.idx.msk [tilespmem:v0+s18+$0x0 ss:$0x1], $0xffff  }
0x2a: {  	v2 =	vld.idx.msk [tilespmem:v0+s18+$0x10 ss:$0x1], $0xffff;
	[tilespmem:s13+$0x30] =	vst v6  }
0x2b: {  	s17 =	simm.s32 $0x80;
	s19 =	simm.s32 $0x400;
	[tilespmem:s13+$0xFFFFFFC0] =	vst v7;
	v6 =	vld.idx.msk [tilespmem:v0+s18+$0x20 ss:$0x1], $0xffff;
	s18 =	smov.u32 s13  }
.LBB1_4:
0x2c: {  	p1 =	sne.s32 s19, $0xE00;
	v7 =	vld.idx.msk [tilespmem:v0+s17+$0x30 ss:$0x1], $0xffff;
	[tilespmem:s18+$0xFFFFFFD0] =	vst v5  }
0x2d: {  	v8 =	vld.idx.msk [tilespmem:v0+s17+$0xFFFFFFC0 ss:$0x1], $0xffff;
	[tilespmem:s18+$0xFFFFFFE0] =	vst v4  }
0x2e: {  	v5 =	vld.idx.msk [tilespmem:v0+s17+$0xFFFFFFD0 ss:$0x1], $0xffff;
	[tilespmem:s18+$0xFFFFFFF0] =	vst v3  }
.Ltmp3:
0x2f: {  	v4 =	vld.idx.msk [tilespmem:v0+s17+$0xFFFFFFE0 ss:$0x1], $0xffff;
	[tilespmem:s18+$0x0] =	vst v1;
	(pc) =	sbr.rel @p1 .LBB1_4-.Ltmp3, $4  }
0x30: {  	v3 =	vld.idx.msk [tilespmem:v0+s17+$0xFFFFFFF0 ss:$0x1], $0xffff;
	[tilespmem:s18+$0x10] =	vst v2  }
0x31: {  	v1 =	vld.idx.msk [tilespmem:v0+s17+$0x0 ss:$0x1], $0xffff;
	[tilespmem:s18+$0x20] =	vst v6;
	s18 =	sadd.s32 $0x800, s18  }
0x32: {  	v2 =	vld.idx.msk [tilespmem:v0+s17+$0x10 ss:$0x1], $0xffff;
	[tilespmem:s18+$0x30] =	vst v7  }
0x33: {  	[tilespmem:s18+$0xFFFFFFC0] =	vst v8;
	v6 =	vld.idx.msk [tilespmem:v0+s17+$0x20 ss:$0x1], $0xffff;
	s17 =	sshra.s32 s19, $0x2;
	s19 =	sadd.s32 $0x200, s19  }
0x34: {  	_ =	sdelay $0x2  }
0x35: {  	[tilespmem:s18+$0xFFFFFFD0] =	vst v5  }
0x36: {  	v56 =	vld.idx.msk [tilespmem:v0+s17+$0x30 ss:$0x1], $0xffff;
	[tilespmem:s18+$0xFFFFFFE0] =	vst v4  }
0x37: {  	v57 =	vld.idx.msk [tilespmem:v0+s17+$0xFFFFFFC0 ss:$0x1], $0xffff;
	[tilespmem:s18+$0xFFFFFFF0] =	vst v3  }
0x38: {  	v58 =	vld.idx.msk [tilespmem:v0+s17+$0xFFFFFFD0 ss:$0x1], $0xffff;
	[tilespmem:s18+$0x0] =	vst v1  }
0x39: {  	v59 =	vld.idx.msk [tilespmem:v0+s17+$0xFFFFFFE0 ss:$0x1], $0xffff;
	[tilespmem:s18+$0x10] =	vst v2  }
0x3a: {  	v60 =	vld.idx.msk [tilespmem:v0+s17+$0xFFFFFFF0 ss:$0x1], $0xffff;
	s31 =	sadd.s32 $0x800, s18;
	[tilespmem:s18+$0x20] =	vst v6  }
0x3b: {  	v61 =	vld.idx.msk [tilespmem:v0+s17+$0x0 ss:$0x1], $0xffff;
	[tilespmem:s31+$0x30] =	vst v56  }
0x3c: {  	v62 =	vld.idx.msk [tilespmem:v0+s17+$0x10 ss:$0x1], $0xffff;
	s16 =	sadd.s32 $0x1, s16;
	[tilespmem:s31+$0xFFFFFFC0] =	vst v57  }
0x3d: {  	v63 =	vld.idx.msk [tilespmem:v0+s17+$0x20 ss:$0x1], $0xffff;
	p1 =	sne.s32 s16, $0x10;
	[tilespmem:s31+$0xFFFFFFD0] =	vst v58  }
.Ltmp4:
0x3e: {  	[tilespmem:s31+$0xFFFFFFE0] =	vst v59;
	(pc) =	sbr.rel @p1 .LBB1_3-.Ltmp4, $4  }
0x3f: {  	[tilespmem:s31+$0xFFFFFFF0] =	vst v60  }
0x40: {  	[tilespmem:s31+$0x0] =	vst v61  }
0x41: {  	[tilespmem:s31+$0x10] =	vst v62  }
0x42: {  	s13 =	sadd.s32 $0x80, s13;
	s15 =	sadd.s32 $0x400, s15;
	[tilespmem:s31+$0x20] =	vst v63  }
.Ltmp5:
0x43: {  	(pc) =	sbr.rel .LBB1_7-.Ltmp5, $4  }
0x44: {  	s12 =	sshll.u32 s12, $0xE;
	s11 =	sshll.u32 s11, $0x4  }
0x45: {  	s11 =	sand.u32 $0x7F0, s11;
	s12 =	sadd.s32 s3, s12  }
0x46: {  	s11 =	sadd.s32 s11, s12  }
0x47: {  	[hbm4b:s11+s6] =	stream.strided.scatter [tilespmem:s14], [sflag:$0x2], $0x4000, s7, s6, $0x38;
	[tilespmem:$0x10000] =	vst v63  }
.LBB1_8:
0x48: {  	_ =	sfence.sel $0x180000  }
0x49: {  	s2 =	simm.s32 $0x1;
	[bflag:$0x0] =	sbarrier.arrive $0xFFFF  }
0x4a: {  	s31 =	simm.s32 $0x2;
	[sflag:s2] =	ssyncpa.u1 $0x1  }
0x4b: {  	[sflag:s31] =	ssyncpa.u1 $0x1  }
0x4c: {  	p0 =	sne.s32 s1, $0x0;
	_ =	strace $0x90000047  }
0x4d: {  	s0 =	sadd.s32 @!p0 $0x100000, s0;
	[bflag:$0x2] =	sbarrier.arrive $0xFFFF  }
0x4e: {  	[sflag:s0] =	ssyncadd.tile.s32 @!p0 $0x1;
	_ =	shalt  }
.Lfunc_end1:
_tile_overlayer_lowered:
.L_overlay_start_2:
0x4f: {  	(tag) =	ssettag $0x2  }
0x50: {  	s0 =	rddreg [dreg:$0x0];
	s2 =	stileid.u32  }
0x51: {  	s1 =	rddreg [dreg:$0x1];
	p0 =	sne.s32 s2, $0x0  }
0x52: {  	s3 =	rddreg [dreg:$0x2];
	[bflag:$0x3] =	sbarrier.arrive $0xFFFF;
	s2 =	simm.s32 @!p0 $0x1C01  }
0x53: {  	[timem:s3], [sflag:s2] =	dma.local @!p0 [hbm:s0], s1  }
0x54: {  	s0 =	simm.s32 @!p0 $0x1  }
0x55: {  	_ =	swait.ge @!p0 [sflag:s0], s1  }
0x56: {  	s1 =	ssub.s32 @!p0 $0x0, s1;
	[sflag:s0] =	ssyncset.done @!p0 $0x0  }
0x57: {  	[sflag:s0] =	ssyncadd.s32 @!p0 s1  }
0x58: {  	[bflag:$0x3] =	sbarrier.arrive $0xFFFF  }
0x59: {  	_ =	shalt  }

</sc_bundles>
